<compile_context>
chip_gen: v7x
topology: tpu7x:2x2x1
jax: 0.10.2.dev20260603
libtpu: 0.0.44.dev20260713+nightly
codegen_flags: <defaults>
</compile_context>

<pallas_src>
import functools

import jax
import jax.numpy as jnp
from jax import lax
from jax.experimental import pallas as pl
from jax.experimental.pallas import tpu as pltpu
from jax.experimental.pallas import tpu_sc as plsc

B = 1024
D = 32
M = 100000
K = 16
BM = 1024
NBLK = 98
MP = NBLK * BM
GW = 128
NG = MP // GW
NGP = 896
NSEL = 18
NEG = float("-inf")
BIGI = 2**31 - 1

NC, NS = 2, 16
NW = NC * NS


def _pcall(*args, **kw):
    return pl.pallas_call(*args, **kw)


def _k1_body(q_ref, p_ref, s_ref, g_ref):
    i = pl.program_id(0)
    q = q_ref[...]
    for g in range(BM // GW):
        s = lax.dot_general(q, p_ref[g * GW:(g + 1) * GW, :],
                            (((1,), (1,)), ((), ())),
                            preferred_element_type=jnp.float32)
        col = lax.broadcasted_iota(jnp.int32, (B, GW), 1) + i * BM + g * GW
        s = jnp.where(col < M, s, NEG)
        s_ref[:, g, :] = s
        m = jnp.max(s, axis=1, keepdims=True)
        g_ref[0, :, g:g + 1] = m


def _scores_and_groupmax(q, patterns):
    return _pcall(
        _k1_body,
        grid=(NBLK,),
        in_specs=[
            pl.BlockSpec((B, D), lambda i: (0, 0)),
            pl.BlockSpec((BM, D), lambda i: (i, 0)),
        ],
        out_specs=[
            pl.BlockSpec((B, BM // GW, GW), lambda i: (0, i, 0)),
            pl.BlockSpec((1, B, BM // GW), lambda i: (i, 0, 0)),
        ],
        out_shape=[
            jax.ShapeDtypeStruct((B, NG, GW), jnp.float32),
            jax.ShapeDtypeStruct((NBLK, B, BM // GW), jnp.float32),
        ],
    )(q, patterns)


def _k2_body(g_ref, grp_ref, row_ref):
    gv = g_ref[...]
    col = lax.broadcasted_iota(jnp.int32, (B, NGP), 1)
    row = lax.broadcasted_iota(jnp.int32, (B, 1), 0)
    for k in range(NSEL):
        m = jnp.max(gv, axis=1, keepdims=True)
        idx = jnp.min(jnp.where(gv == m, col, BIGI), axis=1, keepdims=True)
        grp_ref[:, k:k + 1] = idx
        row_ref[:, k:k + 1] = idx + row * NG
        gv = jnp.where(col == idx, NEG, gv)


def _top_groups(gmax):
    return _pcall(
        _k2_body,
        out_shape=[
            jax.ShapeDtypeStruct((B, NSEL), jnp.int32),
            jax.ShapeDtypeStruct((B, NSEL), jnp.int32),
        ],
    )(gmax)


def _sc_gather_rows(table, idx, width):
    n = idx.shape[0]
    per_w = n // NW
    chunk = next(c for c in range(min(128, per_w), 0, -1) if per_w % c == 0)
    nch = per_w // chunk
    mesh = plsc.VectorSubcoreMesh(core_axis_name="c", subcore_axis_name="s",
                                  num_cores=NC, num_subcores=NS)

    @functools.partial(
        pl.kernel,
        out_type=jax.ShapeDtypeStruct((n, width), jnp.float32),
        mesh=mesh,
        compiler_params=pltpu.CompilerParams(use_tc_tiling_on_sc=False),
        scratch_types=[
            pltpu.VMEM((per_w,), jnp.int32),
            pltpu.VMEM((per_w, width), jnp.float32),
            pltpu.SemaphoreType.DMA,
        ],
    )
    def gather(table_hbm, idx_hbm, out_hbm, idx_v, rows_v, sem):
        wid = lax.axis_index("s") * NC + lax.axis_index("c")
        base = wid * per_w
        pltpu.sync_copy(idx_hbm.at[pl.ds(base, per_w)], idx_v)
        copies = [
            pltpu.async_copy(
                table_hbm.at[idx_v.at[pl.ds(c * chunk, chunk)]],
                rows_v.at[pl.ds(c * chunk, chunk)],
                sem,
            )
            for c in range(nch)
        ]
        for cp in copies:
            cp.wait()
        pltpu.sync_copy(rows_v, out_hbm.at[pl.ds(base, per_w)])

    return gather(table, idx)


def _k4_body(c_ref, grp_ref, w_ref, idx_ref):
    bb = c_ref.shape[0]
    cv = c_ref[...]
    lane = lax.broadcasted_iota(jnp.int32, (bb, GW), 1)
    gcol = jnp.concatenate(
        [grp_ref[:, j:j + 1] * GW + lane for j in range(NSEL)], axis=1)
    tops, tidx = [], []
    for k in range(K):
        m = jnp.max(cv, axis=1, keepdims=True)
        ti = jnp.min(jnp.where(cv == m, gcol, BIGI), axis=1, keepdims=True)
        tops.append(m)
        tidx.append(ti)
        cv = jnp.where(gcol == ti, NEG, cv)
    ts = jnp.concatenate(tops, axis=1)
    e = jnp.exp(ts - ts[:, 0:1])
    w_ref[...] = e / jnp.sum(e, axis=1, keepdims=True)
    idx_ref[...] = jnp.concatenate(tidx, axis=1)


def _topk_softmax(cand, grp):
    bblk = 256
    return _pcall(
        _k4_body,
        grid=(B // bblk,),
        in_specs=[
            pl.BlockSpec((bblk, NSEL * GW), lambda i: (i, 0)),
            pl.BlockSpec((bblk, NSEL), lambda i: (i, 0)),
        ],
        out_specs=[
            pl.BlockSpec((bblk, K), lambda i: (i, 0)),
            pl.BlockSpec((bblk, K), lambda i: (i, 0)),
        ],
        out_shape=[
            jax.ShapeDtypeStruct((B, K), jnp.float32),
            jax.ShapeDtypeStruct((B, K), jnp.int32),
        ],
    )(cand, grp)


def _k6_body(p_ref, w_ref, o_ref):
    acc = w_ref[:, 0:1] * p_ref[0]
    for j in range(1, K):
        acc = acc + w_ref[:, j:j + 1] * p_ref[j]
    o_ref[...] = acc


def _weighted_sum(pk, w):
    return _pcall(
        _k6_body,
        out_shape=jax.ShapeDtypeStruct((B, D), jnp.float32),
    )(pk, w)


def kernel(query, patterns, top_k):
    del top_k
    scores, gmax = _scores_and_groupmax(query, patterns)
    gmax2 = jnp.transpose(gmax, (1, 0, 2)).reshape(B, NG)
    gmax2 = jnp.pad(gmax2, ((0, 0), (0, NGP - NG)), constant_values=NEG)
    grp, rowidx = _top_groups(gmax2)
    seg_table = scores.reshape(B * NG, GW)
    cand = _sc_gather_rows(seg_table, rowidx.reshape(-1), GW)
    w, idx = _topk_softmax(cand.reshape(B, NSEL * GW), grp)
    idx_jmajor = jnp.transpose(idx, (1, 0)).reshape(-1)
    pk = _sc_gather_rows(patterns, idx_jmajor, D).reshape(K, B, D)
    return _weighted_sum(pk, w)

# --- scband reference (transcript-rebuilt; emitter-appended) ---
"""Pipeline reference for scband-modern-hopfield-memory-49065706389516 (READ-ONLY COPY).

The authoritative reference and input builder live on the scoring server;
editing this copy changes nothing except your own understanding.
"""

import jax, jax.numpy as jnp
import numpy as np

BETA = 1.0
MEMORY_SIZE = 100000
PATTERN_DIM = 32
BATCH = 1024
TOP_K = 16

def setup_inputs(seed: int = 0) -> dict:
    key = jax.random.key(seed)
    k1, k2 = jax.random.split(key)
    query = jax.random.normal(k1, (BATCH, PATTERN_DIM), dtype=jnp.float32)
    # The module stores patterns via store(); here we materialize a fully-populated
    # memory buffer (num_stored == memory_size) as a setup-time 'parameter'.
    patterns = jax.random.normal(k2, (MEMORY_SIZE, PATTERN_DIM), dtype=jnp.float32)
    return {"query": query, "patterns": patterns, "top_k": TOP_K}

def reference(query, patterns, top_k):
    # Modern Hopfield retrieval: xi_new = X . softmax(beta X^T xi)
    # top_k < num_stored branch of ModernHopfieldMemory.retrieve
    scores = BETA * jnp.matmul(query, patterns.T)            # [B, M]
    topk_scores, topk_idx = jax.lax.top_k(scores, TOP_K)     # [B, k]
    topk_idx = topk_idx + jnp.asarray(top_k, topk_idx.dtype) * 0
    weights = jax.nn.softmax(topk_scores, axis=-1)           # [B, k]
    topk_patterns = jnp.take(patterns, topk_idx, axis=0)     # [B, k, d] gather
    retrieved = jnp.einsum('bk,bkd->bd', weights, topk_patterns)  # bmm(weights[:,None,:], topk_patterns).squeeze(1)
    return retrieved

if __name__ == "__main__":
    import jax
    _d = setup_inputs()
    print(jax.jit(kernel)(*tuple(_d.values())))

</pallas_src>

<mosaic_0001>
#map = affine_map<(d0, d1) -> (0, 0)>
#map1 = affine_map<(d0, d1) -> (0)>
module attributes {stable_mosaic.version = 14 : i64} {
  func.func @gather(%arg0: i32, %arg1: i32, %arg2: memref<100000x32xf32, #tpu.memory_space<hbm>>, %arg3: memref<16384xi32, #tpu.memory_space<hbm>>, %arg4: memref<16384x32xf32, #tpu.memory_space<hbm>>, %arg5: memref<512xi32, #tpu.memory_space<vmem>>, %arg6: memref<512x32xf32, #tpu.memory_space<vmem>>, %arg7: memref<!tpu.dma_semaphore, #tpu.memory_space<semaphore_mem>>) attributes {dimension_semantics = [#tpu.dimension_semantics<core_parallel>, #tpu.dimension_semantics<subcore_parallel>], iteration_bounds = array<i64: 2, 16>, scalar_prefetch = 0 : i64, scratch_operands = 3 : i64, tpu.core_type = #tpu.core_type<sc_vector_subcore>, window_params = [{transform_indices = #map}, {transform_indices = #map1}, {transform_indices = #map}]} {
    %mul3A = arith.constant 2 : i32
    %mul3A_0 = arith.muli %arg1, %mul3A : i32
    %add3A = arith.addi %mul3A_0, %arg0 : i32
    %mul3A_1 = arith.constant 512 : i32
    %mul3A_2 = arith.muli %add3A, %mul3A_1 : i32
    "tpu.region"() ({
      %run_scoped3A = tpu.sem_alloc : memref<!tpu.dma_semaphore, #tpu.memory_space<semaphore_mem>>
      %dma_start3A_65 = tpu.memref_slice %arg3[%mul3A_2] : memref<16384xi32, #tpu.memory_space<hbm>> -> memref<512xi32, #tpu.memory_space<hbm>>
      %dma_start3A_66 = tpu.memref_slice %arg3[%mul3A_2] : memref<16384xi32, #tpu.memory_space<hbm>> -> memref<512xi32, #tpu.memory_space<hbm>>
      tpu.enqueue_dma source(%dma_start3A_66 : memref<512xi32, #tpu.memory_space<hbm>>) target(%arg5 : memref<512xi32, #tpu.memory_space<vmem>>) target_semaphore(%run_scoped3A : memref<!tpu.dma_semaphore, #tpu.memory_space<semaphore_mem>>)
      %dma_wait3A_67 = tpu.memref_slice %arg3[%mul3A_2] : memref<16384xi32, #tpu.memory_space<hbm>> -> memref<512xi32, #tpu.memory_space<hbm>>
      %dma_wait3A_68 = tpu.memref_slice %arg3[%mul3A_2] : memref<16384xi32, #tpu.memory_space<hbm>> -> memref<512xi32, #tpu.memory_space<hbm>>
      tpu.wait_dma2 semaphore(%run_scoped3A : memref<!tpu.dma_semaphore, #tpu.memory_space<semaphore_mem>>) src(%dma_wait3A_68 : memref<512xi32, #tpu.memory_space<hbm>>) dst(%arg5 : memref<512xi32, #tpu.memory_space<vmem>>)
      tpu.yield
    }) : () -> ()
    %dma_start3A = arith.constant 0 : i32
    %dma_start3A_3 = arith.constant 0 : i32
    %dma_start3A_4 = tpu.memref_slice %arg6[%dma_start3A, %dma_start3A_3] : memref<512x32xf32, #tpu.memory_space<vmem>> -> memref<128x32xf32, #tpu.memory_space<vmem>>
    %dma_start3A_5 = arith.constant 0 : i32
    %dma_start3A_6 = tpu.memref_slice %arg5[%dma_start3A_5] : memref<512xi32, #tpu.memory_space<vmem>> -> memref<128xi32, #tpu.memory_space<vmem>>
    %dma_start3A_7 = arith.constant 0 : i32
    %dma_start3A_8 = arith.constant 0 : i32
    %dma_start3A_9 = tpu.memref_slice %arg2[%dma_start3A_7, %dma_start3A_8] : memref<100000x32xf32, #tpu.memory_space<hbm>> -> memref<100000x32xf32, #tpu.memory_space<hbm>>
    tpu.enqueue_indirect_dma source(%dma_start3A_9 : memref<100000x32xf32, #tpu.memory_space<hbm>>) target(%dma_start3A_4 : memref<128x32xf32, #tpu.memory_space<vmem>>) offsets(%dma_start3A_6 : memref<128xi32, #tpu.memory_space<vmem>>) semaphore(%arg7 : memref<!tpu.dma_semaphore, #tpu.memory_space<semaphore_mem>>)
    %dma_start3A_10 = arith.constant 128 : i32
    %dma_start3A_11 = arith.constant 0 : i32
    %dma_start3A_12 = tpu.memref_slice %arg6[%dma_start3A_10, %dma_start3A_11] : memref<512x32xf32, #tpu.memory_space<vmem>> -> memref<128x32xf32, #tpu.memory_space<vmem>>
    %dma_start3A_13 = arith.constant 128 : i32
    %dma_start3A_14 = tpu.memref_slice %arg5[%dma_start3A_13] : memref<512xi32, #tpu.memory_space<vmem>> -> memref<128xi32, #tpu.memory_space<vmem>>
    %dma_start3A_15 = arith.constant 0 : i32
    %dma_start3A_16 = arith.constant 0 : i32
    %dma_start3A_17 = tpu.memref_slice %arg2[%dma_start3A_15, %dma_start3A_16] : memref<100000x32xf32, #tpu.memory_space<hbm>> -> memref<100000x32xf32, #tpu.memory_space<hbm>>
    tpu.enqueue_indirect_dma source(%dma_start3A_17 : memref<100000x32xf32, #tpu.memory_space<hbm>>) target(%dma_start3A_12 : memref<128x32xf32, #tpu.memory_space<vmem>>) offsets(%dma_start3A_14 : memref<128xi32, #tpu.memory_space<vmem>>) semaphore(%arg7 : memref<!tpu.dma_semaphore, #tpu.memory_space<semaphore_mem>>)
    %dma_start3A_18 = arith.constant 256 : i32
    %dma_start3A_19 = arith.constant 0 : i32
    %dma_start3A_20 = tpu.memref_slice %arg6[%dma_start3A_18, %dma_start3A_19] : memref<512x32xf32, #tpu.memory_space<vmem>> -> memref<128x32xf32, #tpu.memory_space<vmem>>
    %dma_start3A_21 = arith.constant 256 : i32
    %dma_start3A_22 = tpu.memref_slice %arg5[%dma_start3A_21] : memref<512xi32, #tpu.memory_space<vmem>> -> memref<128xi32, #tpu.memory_space<vmem>>
    %dma_start3A_23 = arith.constant 0 : i32
    %dma_start3A_24 = arith.constant 0 : i32
    %dma_start3A_25 = tpu.memref_slice %arg2[%dma_start3A_23, %dma_start3A_24] : memref<100000x32xf32, #tpu.memory_space<hbm>> -> memref<100000x32xf32, #tpu.memory_space<hbm>>
    tpu.enqueue_indirect_dma source(%dma_start3A_25 : memref<100000x32xf32, #tpu.memory_space<hbm>>) target(%dma_start3A_20 : memref<128x32xf32, #tpu.memory_space<vmem>>) offsets(%dma_start3A_22 : memref<128xi32, #tpu.memory_space<vmem>>) semaphore(%arg7 : memref<!tpu.dma_semaphore, #tpu.memory_space<semaphore_mem>>)
    %dma_start3A_26 = arith.constant 384 : i32
    %dma_start3A_27 = arith.constant 0 : i32
    %dma_start3A_28 = tpu.memref_slice %arg6[%dma_start3A_26, %dma_start3A_27] : memref<512x32xf32, #tpu.memory_space<vmem>> -> memref<128x32xf32, #tpu.memory_space<vmem>>
    %dma_start3A_29 = arith.constant 384 : i32
    %dma_start3A_30 = tpu.memref_slice %arg5[%dma_start3A_29] : memref<512xi32, #tpu.memory_space<vmem>> -> memref<128xi32, #tpu.memory_space<vmem>>
    %dma_start3A_31 = arith.constant 0 : i32
    %dma_start3A_32 = arith.constant 0 : i32
    %dma_start3A_33 = tpu.memref_slice %arg2[%dma_start3A_31, %dma_start3A_32] : memref<100000x32xf32, #tpu.memory_space<hbm>> -> memref<100000x32xf32, #tpu.memory_space<hbm>>
    tpu.enqueue_indirect_dma source(%dma_start3A_33 : memref<100000x32xf32, #tpu.memory_space<hbm>>) target(%dma_start3A_28 : memref<128x32xf32, #tpu.memory_space<vmem>>) offsets(%dma_start3A_30 : memref<128xi32, #tpu.memory_space<vmem>>) semaphore(%arg7 : memref<!tpu.dma_semaphore, #tpu.memory_space<semaphore_mem>>)
    %dma_wait3A = arith.constant 0 : i32
    %dma_wait3A_34 = arith.constant 0 : i32
    %dma_wait3A_35 = tpu.memref_slice %arg6[%dma_wait3A, %dma_wait3A_34] : memref<512x32xf32, #tpu.memory_space<vmem>> -> memref<128x32xf32, #tpu.memory_space<vmem>>
    %dma_wait3A_36 = arith.constant 0 : i32
    %dma_wait3A_37 = tpu.memref_slice %arg5[%dma_wait3A_36] : memref<512xi32, #tpu.memory_space<vmem>> -> memref<128xi32, #tpu.memory_space<vmem>>
    %dma_wait3A_38 = arith.constant 0 : i32
    %dma_wait3A_39 = arith.constant 0 : i32
    %dma_wait3A_40 = tpu.memref_slice %arg2[%dma_wait3A_38, %dma_wait3A_39] : memref<100000x32xf32, #tpu.memory_space<hbm>> -> memref<100000x32xf32, #tpu.memory_space<hbm>>
    tpu.wait_indirect_dma semaphore(%arg7 : memref<!tpu.dma_semaphore, #tpu.memory_space<semaphore_mem>>) src(%dma_wait3A_40 : memref<100000x32xf32, #tpu.memory_space<hbm>>) dst(%dma_wait3A_35 : memref<128x32xf32, #tpu.memory_space<vmem>>)
    %dma_wait3A_41 = arith.constant 128 : i32
    %dma_wait3A_42 = arith.constant 0 : i32
    %dma_wait3A_43 = tpu.memref_slice %arg6[%dma_wait3A_41, %dma_wait3A_42] : memref<512x32xf32, #tpu.memory_space<vmem>> -> memref<128x32xf32, #tpu.memory_space<vmem>>
    %dma_wait3A_44 = arith.constant 128 : i32
    %dma_wait3A_45 = tpu.memref_slice %arg5[%dma_wait3A_44] : memref<512xi32, #tpu.memory_space<vmem>> -> memref<128xi32, #tpu.memory_space<vmem>>
    %dma_wait3A_46 = arith.constant 0 : i32
    %dma_wait3A_47 = arith.constant 0 : i32
    %dma_wait3A_48 = tpu.memref_slice %arg2[%dma_wait3A_46, %dma_wait3A_47] : memref<100000x32xf32, #tpu.memory_space<hbm>> -> memref<100000x32xf32, #tpu.memory_space<hbm>>
    tpu.wait_indirect_dma semaphore(%arg7 : memref<!tpu.dma_semaphore, #tpu.memory_space<semaphore_mem>>) src(%dma_wait3A_48 : memref<100000x32xf32, #tpu.memory_space<hbm>>) dst(%dma_wait3A_43 : memref<128x32xf32, #tpu.memory_space<vmem>>)
    %dma_wait3A_49 = arith.constant 256 : i32
    %dma_wait3A_50 = arith.constant 0 : i32
    %dma_wait3A_51 = tpu.memref_slice %arg6[%dma_wait3A_49, %dma_wait3A_50] : memref<512x32xf32, #tpu.memory_space<vmem>> -> memref<128x32xf32, #tpu.memory_space<vmem>>
    %dma_wait3A_52 = arith.constant 256 : i32
    %dma_wait3A_53 = tpu.memref_slice %arg5[%dma_wait3A_52] : memref<512xi32, #tpu.memory_space<vmem>> -> memref<128xi32, #tpu.memory_space<vmem>>
    %dma_wait3A_54 = arith.constant 0 : i32
    %dma_wait3A_55 = arith.constant 0 : i32
    %dma_wait3A_56 = tpu.memref_slice %arg2[%dma_wait3A_54, %dma_wait3A_55] : memref<100000x32xf32, #tpu.memory_space<hbm>> -> memref<100000x32xf32, #tpu.memory_space<hbm>>
    tpu.wait_indirect_dma semaphore(%arg7 : memref<!tpu.dma_semaphore, #tpu.memory_space<semaphore_mem>>) src(%dma_wait3A_56 : memref<100000x32xf32, #tpu.memory_space<hbm>>) dst(%dma_wait3A_51 : memref<128x32xf32, #tpu.memory_space<vmem>>)
    %dma_wait3A_57 = arith.constant 384 : i32
    %dma_wait3A_58 = arith.constant 0 : i32
    %dma_wait3A_59 = tpu.memref_slice %arg6[%dma_wait3A_57, %dma_wait3A_58] : memref<512x32xf32, #tpu.memory_space<vmem>> -> memref<128x32xf32, #tpu.memory_space<vmem>>
    %dma_wait3A_60 = arith.constant 384 : i32
    %dma_wait3A_61 = tpu.memref_slice %arg5[%dma_wait3A_60] : memref<512xi32, #tpu.memory_space<vmem>> -> memref<128xi32, #tpu.memory_space<vmem>>
    %dma_wait3A_62 = arith.constant 0 : i32
    %dma_wait3A_63 = arith.constant 0 : i32
    %dma_wait3A_64 = tpu.memref_slice %arg2[%dma_wait3A_62, %dma_wait3A_63] : memref<100000x32xf32, #tpu.memory_space<hbm>> -> memref<100000x32xf32, #tpu.memory_space<hbm>>
    tpu.wait_indirect_dma semaphore(%arg7 : memref<!tpu.dma_semaphore, #tpu.memory_space<semaphore_mem>>) src(%dma_wait3A_64 : memref<100000x32xf32, #tpu.memory_space<hbm>>) dst(%dma_wait3A_59 : memref<128x32xf32, #tpu.memory_space<vmem>>)
    "tpu.region"() ({
      %run_scoped3A = tpu.sem_alloc : memref<!tpu.dma_semaphore, #tpu.memory_space<semaphore_mem>>
      %dma_start3A_65 = arith.constant 0 : i32
      %dma_start3A_66 = tpu.memref_slice %arg4[%mul3A_2, %dma_start3A_65] : memref<16384x32xf32, #tpu.memory_space<hbm>> -> memref<512x32xf32, #tpu.memory_space<hbm>>
      %dma_start3A_67 = arith.constant 0 : i32
      %dma_start3A_68 = tpu.memref_slice %arg4[%mul3A_2, %dma_start3A_67] : memref<16384x32xf32, #tpu.memory_space<hbm>> -> memref<512x32xf32, #tpu.memory_space<hbm>>
      tpu.enqueue_dma source(%arg6 : memref<512x32xf32, #tpu.memory_space<vmem>>) target(%dma_start3A_68 : memref<512x32xf32, #tpu.memory_space<hbm>>) target_semaphore(%run_scoped3A : memref<!tpu.dma_semaphore, #tpu.memory_space<semaphore_mem>>)
      %dma_wait3A_69 = arith.constant 0 : i32
      %dma_wait3A_70 = tpu.memref_slice %arg4[%mul3A_2, %dma_wait3A_69] : memref<16384x32xf32, #tpu.memory_space<hbm>> -> memref<512x32xf32, #tpu.memory_space<hbm>>
      %dma_wait3A_71 = arith.constant 0 : i32
      %dma_wait3A_72 = tpu.memref_slice %arg4[%mul3A_2, %dma_wait3A_71] : memref<16384x32xf32, #tpu.memory_space<hbm>> -> memref<512x32xf32, #tpu.memory_space<hbm>>
      tpu.wait_dma2 semaphore(%run_scoped3A : memref<!tpu.dma_semaphore, #tpu.memory_space<semaphore_mem>>) src(%arg6 : memref<512x32xf32, #tpu.memory_space<vmem>>) dst(%dma_wait3A_72 : memref<512x32xf32, #tpu.memory_space<hbm>>)
      tpu.yield
    }) : () -> ()
    return
  }
}

#map = affine_map<(d0, d1) -> (0, 0)>
#map1 = affine_map<(d0, d1) -> (0)>
module attributes {stable_mosaic.version = 14 : i64} {
  func.func @gather(%arg0: i32, %arg1: i32, %arg2: memref<802816x128xf32, #tpu.memory_space<hbm>>, %arg3: memref<18432xi32, #tpu.memory_space<hbm>>, %arg4: memref<18432x128xf32, #tpu.memory_space<hbm>>, %arg5: memref<576xi32, #tpu.memory_space<vmem>>, %arg6: memref<576x128xf32, #tpu.memory_space<vmem>>, %arg7: memref<!tpu.dma_semaphore, #tpu.memory_space<semaphore_mem>>) attributes {dimension_semantics = [#tpu.dimension_semantics<core_parallel>, #tpu.dimension_semantics<subcore_parallel>], iteration_bounds = array<i64: 2, 16>, scalar_prefetch = 0 : i64, scratch_operands = 3 : i64, tpu.core_type = #tpu.core_type<sc_vector_subcore>, window_params = [{transform_indices = #map}, {transform_indices = #map1}, {transform_indices = #map}]} {
    %mul3A = arith.constant 2 : i32
    %mul3A_0 = arith.muli %arg1, %mul3A : i32
    %add3A = arith.addi %mul3A_0, %arg0 : i32
    %mul3A_1 = arith.constant 576 : i32
    %mul3A_2 = arith.muli %add3A, %mul3A_1 : i32
    "tpu.region"() ({
      %run_scoped3A = tpu.sem_alloc : memref<!tpu.dma_semaphore, #tpu.memory_space<semaphore_mem>>
      %dma_start3A_97 = tpu.memref_slice %arg3[%mul3A_2] : memref<18432xi32, #tpu.memory_space<hbm>> -> memref<576xi32, #tpu.memory_space<hbm>>
      %dma_start3A_98 = tpu.memref_slice %arg3[%mul3A_2] : memref<18432xi32, #tpu.memory_space<hbm>> -> memref<576xi32, #tpu.memory_space<hbm>>
      tpu.enqueue_dma source(%dma_start3A_98 : memref<576xi32, #tpu.memory_space<hbm>>) target(%arg5 : memref<576xi32, #tpu.memory_space<vmem>>) target_semaphore(%run_scoped3A : memref<!tpu.dma_semaphore, #tpu.memory_space<semaphore_mem>>)
      %dma_wait3A_99 = tpu.memref_slice %arg3[%mul3A_2] : memref<18432xi32, #tpu.memory_space<hbm>> -> memref<576xi32, #tpu.memory_space<hbm>>
      %dma_wait3A_100 = tpu.memref_slice %arg3[%mul3A_2] : memref<18432xi32, #tpu.memory_space<hbm>> -> memref<576xi32, #tpu.memory_space<hbm>>
      tpu.wait_dma2 semaphore(%run_scoped3A : memref<!tpu.dma_semaphore, #tpu.memory_space<semaphore_mem>>) src(%dma_wait3A_100 : memref<576xi32, #tpu.memory_space<hbm>>) dst(%arg5 : memref<576xi32, #tpu.memory_space<vmem>>)
      tpu.yield
    }) : () -> ()
    %dma_start3A = arith.constant 0 : i32
    %dma_start3A_3 = arith.constant 0 : i32
    %dma_start3A_4 = tpu.memref_slice %arg6[%dma_start3A, %dma_start3A_3] : memref<576x128xf32, #tpu.memory_space<vmem>> -> memref<96x128xf32, #tpu.memory_space<vmem>>
    %dma_start3A_5 = arith.constant 0 : i32
    %dma_start3A_6 = tpu.memref_slice %arg5[%dma_start3A_5] : memref<576xi32, #tpu.memory_space<vmem>> -> memref<96xi32, #tpu.memory_space<vmem>>
    %dma_start3A_7 = arith.constant 0 : i32
    %dma_start3A_8 = arith.constant 0 : i32
    %dma_start3A_9 = tpu.memref_slice %arg2[%dma_start3A_7, %dma_start3A_8] : memref<802816x128xf32, #tpu.memory_space<hbm>> -> memref<802816x128xf32, #tpu.memory_space<hbm>>
    tpu.enqueue_indirect_dma source(%dma_start3A_9 : memref<802816x128xf32, #tpu.memory_space<hbm>>) target(%dma_start3A_4 : memref<96x128xf32, #tpu.memory_space<vmem>>) offsets(%dma_start3A_6 : memref<96xi32, #tpu.memory_space<vmem>>) semaphore(%arg7 : memref<!tpu.dma_semaphore, #tpu.memory_space<semaphore_mem>>)
    %dma_start3A_10 = arith.constant 96 : i32
    %dma_start3A_11 = arith.constant 0 : i32
    %dma_start3A_12 = tpu.memref_slice %arg6[%dma_start3A_10, %dma_start3A_11] : memref<576x128xf32, #tpu.memory_space<vmem>> -> memref<96x128xf32, #tpu.memory_space<vmem>>
    %dma_start3A_13 = arith.constant 96 : i32
    %dma_start3A_14 = tpu.memref_slice %arg5[%dma_start3A_13] : memref<576xi32, #tpu.memory_space<vmem>> -> memref<96xi32, #tpu.memory_space<vmem>>
    %dma_start3A_15 = arith.constant 0 : i32
    %dma_start3A_16 = arith.constant 0 : i32
    %dma_start3A_17 = tpu.memref_slice %arg2[%dma_start3A_15, %dma_start3A_16] : memref<802816x128xf32, #tpu.memory_space<hbm>> -> memref<802816x128xf32, #tpu.memory_space<hbm>>
    tpu.enqueue_indirect_dma source(%dma_start3A_17 : memref<802816x128xf32, #tpu.memory_space<hbm>>) target(%dma_start3A_12 : memref<96x128xf32, #tpu.memory_space<vmem>>) offsets(%dma_start3A_14 : memref<96xi32, #tpu.memory_space<vmem>>) semaphore(%arg7 : memref<!tpu.dma_semaphore, #tpu.memory_space<semaphore_mem>>)
    %dma_start3A_18 = arith.constant 192 : i32
    %dma_start3A_19 = arith.constant 0 : i32
    %dma_start3A_20 = tpu.memref_slice %arg6[%dma_start3A_18, %dma_start3A_19] : memref<576x128xf32, #tpu.memory_space<vmem>> -> memref<96x128xf32, #tpu.memory_space<vmem>>
    %dma_start3A_21 = arith.constant 192 : i32
    %dma_start3A_22 = tpu.memref_slice %arg5[%dma_start3A_21] : memref<576xi32, #tpu.memory_space<vmem>> -> memref<96xi32, #tpu.memory_space<vmem>>
    %dma_start3A_23 = arith.constant 0 : i32
    %dma_start3A_24 = arith.constant 0 : i32
    %dma_start3A_25 = tpu.memref_slice %arg2[%dma_start3A_23, %dma_start3A_24] : memref<802816x128xf32, #tpu.memory_space<hbm>> -> memref<802816x128xf32, #tpu.memory_space<hbm>>
    tpu.enqueue_indirect_dma source(%dma_start3A_25 : memref<802816x128xf32, #tpu.memory_space<hbm>>) target(%dma_start3A_20 : memref<96x128xf32, #tpu.memory_space<vmem>>) offsets(%dma_start3A_22 : memref<96xi32, #tpu.memory_space<vmem>>) semaphore(%arg7 : memref<!tpu.dma_semaphore, #tpu.memory_space<semaphore_mem>>)
    %dma_start3A_26 = arith.constant 288 : i32
    %dma_start3A_27 = arith.constant 0 : i32
    %dma_start3A_28 = tpu.memref_slice %arg6[%dma_start3A_26, %dma_start3A_27] : memref<576x128xf32, #tpu.memory_space<vmem>> -> memref<96x128xf32, #tpu.memory_space<vmem>>
    %dma_start3A_29 = arith.constant 288 : i32
    %dma_start3A_30 = tpu.memref_slice %arg5[%dma_start3A_29] : memref<576xi32, #tpu.memory_space<vmem>> -> memref<96xi32, #tpu.memory_space<vmem>>
    %dma_start3A_31 = arith.constant 0 : i32
    %dma_start3A_32 = arith.constant 0 : i32
    %dma_start3A_33 = tpu.memref_slice %arg2[%dma_start3A_31, %dma_start3A_32] : memref<802816x128xf32, #tpu.memory_space<hbm>> -> memref<802816x128xf32, #tpu.memory_space<hbm>>
    tpu.enqueue_indirect_dma source(%dma_start3A_33 : memref<802816x128xf32, #tpu.memory_space<hbm>>) target(%dma_start3A_28 : memref<96x128xf32, #tpu.memory_space<vmem>>) offsets(%dma_start3A_30 : memref<96xi32, #tpu.memory_space<vmem>>) semaphore(%arg7 : memref<!tpu.dma_semaphore, #tpu.memory_space<semaphore_mem>>)
    %dma_start3A_34 = arith.constant 384 : i32
    %dma_start3A_35 = arith.constant 0 : i32
    %dma_start3A_36 = tpu.memref_slice %arg6[%dma_start3A_34, %dma_start3A_35] : memref<576x128xf32, #tpu.memory_space<vmem>> -> memref<96x128xf32, #tpu.memory_space<vmem>>
    %dma_start3A_37 = arith.constant 384 : i32
    %dma_start3A_38 = tpu.memref_slice %arg5[%dma_start3A_37] : memref<576xi32, #tpu.memory_space<vmem>> -> memref<96xi32, #tpu.memory_space<vmem>>
    %dma_start3A_39 = arith.constant 0 : i32
    %dma_start3A_40 = arith.constant 0 : i32
    %dma_start3A_41 = tpu.memref_slice %arg2[%dma_start3A_39, %dma_start3A_40] : memref<802816x128xf32, #tpu.memory_space<hbm>> -> memref<802816x128xf32, #tpu.memory_space<hbm>>
    tpu.enqueue_indirect_dma source(%dma_start3A_41 : memref<802816x128xf32, #tpu.memory_space<hbm>>) target(%dma_start3A_36 : memref<96x128xf32, #tpu.memory_space<vmem>>) offsets(%dma_start3A_38 : memref<96xi32, #tpu.memory_space<vmem>>) semaphore(%arg7 : memref<!tpu.dma_semaphore, #tpu.memory_space<semaphore_mem>>)
    %dma_start3A_42 = arith.constant 480 : i32
    %dma_start3A_43 = arith.constant 0 : i32
    %dma_start3A_44 = tpu.memref_slice %arg6[%dma_start3A_42, %dma_start3A_43] : memref<576x128xf32, #tpu.memory_space<vmem>> -> memref<96x128xf32, #tpu.memory_space<vmem>>
    %dma_start3A_45 = arith.constant 480 : i32
    %dma_start3A_46 = tpu.memref_slice %arg5[%dma_start3A_45] : memref<576xi32, #tpu.memory_space<vmem>> -> memref<96xi32, #tpu.memory_space<vmem>>
    %dma_start3A_47 = arith.constant 0 : i32
    %dma_start3A_48 = arith.constant 0 : i32
    %dma_start3A_49 = tpu.memref_slice %arg2[%dma_start3A_47, %dma_start3A_48] : memref<802816x128xf32, #tpu.memory_space<hbm>> -> memref<802816x128xf32, #tpu.memory_space<hbm>>
    tpu.enqueue_indirect_dma source(%dma_start3A_49 : memref<802816x128xf32, #tpu.memory_space<hbm>>) target(%dma_start3A_44 : memref<96x128xf32, #tpu.memory_space<vmem>>) offsets(%dma_start3A_46 : memref<96xi32, #tpu.memory_space<vmem>>) semaphore(%arg7 : memref<!tpu.dma_semaphore, #tpu.memory_space<semaphore_mem>>)
    %dma_wait3A = arith.constant 0 : i32
    %dma_wait3A_50 = arith.constant 0 : i32
    %dma_wait3A_51 = tpu.memref_slice %arg6[%dma_wait3A, %dma_wait3A_50] : memref<576x128xf32, #tpu.memory_space<vmem>> -> memref<96x128xf32, #tpu.memory_space<vmem>>
    %dma_wait3A_52 = arith.constant 0 : i32
    %dma_wait3A_53 = tpu.memref_slice %arg5[%dma_wait3A_52] : memref<576xi32, #tpu.memory_space<vmem>> -> memref<96xi32, #tpu.memory_space<vmem>>
    %dma_wait3A_54 = arith.constant 0 : i32
    %dma_wait3A_55 = arith.constant 0 : i32
    %dma_wait3A_56 = tpu.memref_slice %arg2[%dma_wait3A_54, %dma_wait3A_55] : memref<802816x128xf32, #tpu.memory_space<hbm>> -> memref<802816x128xf32, #tpu.memory_space<hbm>>
    tpu.wait_indirect_dma semaphore(%arg7 : memref<!tpu.dma_semaphore, #tpu.memory_space<semaphore_mem>>) src(%dma_wait3A_56 : memref<802816x128xf32, #tpu.memory_space<hbm>>) dst(%dma_wait3A_51 : memref<96x128xf32, #tpu.memory_space<vmem>>)
    %dma_wait3A_57 = arith.constant 96 : i32
    %dma_wait3A_58 = arith.constant 0 : i32
    %dma_wait3A_59 = tpu.memref_slice %arg6[%dma_wait3A_57, %dma_wait3A_58] : memref<576x128xf32, #tpu.memory_space<vmem>> -> memref<96x128xf32, #tpu.memory_space<vmem>>
    %dma_wait3A_60 = arith.constant 96 : i32
    %dma_wait3A_61 = tpu.memref_slice %arg5[%dma_wait3A_60] : memref<576xi32, #tpu.memory_space<vmem>> -> memref<96xi32, #tpu.memory_space<vmem>>
    %dma_wait3A_62 = arith.constant 0 : i32
    %dma_wait3A_63 = arith.constant 0 : i32
    %dma_wait3A_64 = tpu.memref_slice %arg2[%dma_wait3A_62, %dma_wait3A_63] : memref<802816x128xf32, #tpu.memory_space<hbm>> -> memref<802816x128xf32, #tpu.memory_space<hbm>>
    tpu.wait_indirect_dma semaphore(%arg7 : memref<!tpu.dma_semaphore, #tpu.memory_space<semaphore_mem>>) src(%dma_wait3A_64 : memref<802816x128xf32, #tpu.memory_space<hbm>>) dst(%dma_wait3A_59 : memref<96x128xf32, #tpu.memory_space<vmem>>)
    %dma_wait3A_65 = arith.constant 192 : i32
    %dma_wait3A_66 = arith.constant 0 : i32
    %dma_wait3A_67 = tpu.memref_slice %arg6[%dma_wait3A_65, %dma_wait3A_66] : memref<576x128xf32, #tpu.memory_space<vmem>> -> memref<96x128xf32, #tpu.memory_space<vmem>>
    %dma_wait3A_68 = arith.constant 192 : i32
    %dma_wait3A_69 = tpu.memref_slice %arg5[%dma_wait3A_68] : memref<576xi32, #tpu.memory_space<vmem>> -> memref<96xi32, #tpu.memory_space<vmem>>
    %dma_wait3A_70 = arith.constant 0 : i32
    %dma_wait3A_71 = arith.constant 0 : i32
    %dma_wait3A_72 = tpu.memref_slice %arg2[%dma_wait3A_70, %dma_wait3A_71] : memref<802816x128xf32, #tpu.memory_space<hbm>> -> memref<802816x128xf32, #tpu.memory_space<hbm>>
    tpu.wait_indirect_dma semaphore(%arg7 : memref<!tpu.dma_semaphore, #tpu.memory_space<semaphore_mem>>) src(%dma_wait3A_72 : memref<802816x128xf32, #tpu.memory_space<hbm>>) dst(%dma_wait3A_67 : memref<96x128xf32, #tpu.memory_space<vmem>>)
    %dma_wait3A_73 = arith.constant 288 : i32
    %dma_wait3A_74 = arith.constant 0 : i32
    %dma_wait3A_75 = tpu.memref_slice %arg6[%dma_wait3A_73, %dma_wait3A_74] : memref<576x128xf32, #tpu.memory_space<vmem>> -> memref<96x128xf32, #tpu.memory_space<vmem>>
    %dma_wait3A_76 = arith.constant 288 : i32
    %dma_wait3A_77 = tpu.memref_slice %arg5[%dma_wait3A_76] : memref<576xi32, #tpu.memory_space<vmem>> -> memref<96xi32, #tpu.memory_space<vmem>>
    %dma_wait3A_78 = arith.constant 0 : i32
    %dma_wait3A_79 = arith.constant 0 : i32
    %dma_wait3A_80 = tpu.memref_slice %arg2[%dma_wait3A_78, %dma_wait3A_79] : memref<802816x128xf32, #tpu.memory_space<hbm>> -> memref<802816x128xf32, #tpu.memory_space<hbm>>
    tpu.wait_indirect_dma semaphore(%arg7 : memref<!tpu.dma_semaphore, #tpu.memory_space<semaphore_mem>>) src(%dma_wait3A_80 : memref<802816x128xf32, #tpu.memory_space<hbm>>) dst(%dma_wait3A_75 : memref<96x128xf32, #tpu.memory_space<vmem>>)
    %dma_wait3A_81 = arith.constant 384 : i32
    %dma_wait3A_82 = arith.constant 0 : i32
    %dma_wait3A_83 = tpu.memref_slice %arg6[%dma_wait3A_81, %dma_wait3A_82] : memref<576x128xf32, #tpu.memory_space<vmem>> -> memref<96x128xf32, #tpu.memory_space<vmem>>
    %dma_wait3A_84 = arith.constant 384 : i32
    %dma_wait3A_85 = tpu.memref_slice %arg5[%dma_wait3A_84] : memref<576xi32, #tpu.memory_space<vmem>> -> memref<96xi32, #tpu.memory_space<vmem>>
    %dma_wait3A_86 = arith.constant 0 : i32
    %dma_wait3A_87 = arith.constant 0 : i32
    %dma_wait3A_88 = tpu.memref_slice %arg2[%dma_wait3A_86, %dma_wait3A_87] : memref<802816x128xf32, #tpu.memory_space<hbm>> -> memref<802816x128xf32, #tpu.memory_space<hbm>>
    tpu.wait_indirect_dma semaphore(%arg7 : memref<!tpu.dma_semaphore, #tpu.memory_space<semaphore_mem>>) src(%dma_wait3A_88 : memref<802816x128xf32, #tpu.memory_space<hbm>>) dst(%dma_wait3A_83 : memref<96x128xf32, #tpu.memory_space<vmem>>)
    %dma_wait3A_89 = arith.constant 480 : i32
    %dma_wait3A_90 = arith.constant 0 : i32
    %dma_wait3A_91 = tpu.memref_slice %arg6[%dma_wait3A_89, %dma_wait3A_90] : memref<576x128xf32, #tpu.memory_space<vmem>> -> memref<96x128xf32, #tpu.memory_space<vmem>>
    %dma_wait3A_92 = arith.constant 480 : i32
    %dma_wait3A_93 = tpu.memref_slice %arg5[%dma_wait3A_92] : memref<576xi32, #tpu.memory_space<vmem>> -> memref<96xi32, #tpu.memory_space<vmem>>
    %dma_wait3A_94 = arith.constant 0 : i32
    %dma_wait3A_95 = arith.constant 0 : i32
    %dma_wait3A_96 = tpu.memref_slice %arg2[%dma_wait3A_94, %dma_wait3A_95] : memref<802816x128xf32, #tpu.memory_space<hbm>> -> memref<802816x128xf32, #tpu.memory_space<hbm>>
    tpu.wait_indirect_dma semaphore(%arg7 : memref<!tpu.dma_semaphore, #tpu.memory_space<semaphore_mem>>) src(%dma_wait3A_96 : memref<802816x128xf32, #tpu.memory_space<hbm>>) dst(%dma_wait3A_91 : memref<96x128xf32, #tpu.memory_space<vmem>>)
    "tpu.region"() ({
      %run_scoped3A = tpu.sem_alloc : memref<!tpu.dma_semaphore, #tpu.memory_space<semaphore_mem>>
      %dma_start3A_97 = arith.constant 0 : i32
      %dma_start3A_98 = tpu.memref_slice %arg4[%mul3A_2, %dma_start3A_97] : memref<18432x128xf32, #tpu.memory_space<hbm>> -> memref<576x128xf32, #tpu.memory_space<hbm>>
      %dma_start3A_99 = arith.constant 0 : i32
      %dma_start3A_100 = tpu.memref_slice %arg4[%mul3A_2, %dma_start3A_99] : memref<18432x128xf32, #tpu.memory_space<hbm>> -> memref<576x128xf32, #tpu.memory_space<hbm>>
      tpu.enqueue_dma source(%arg6 : memref<576x128xf32, #tpu.memory_space<vmem>>) target(%dma_start3A_100 : memref<576x128xf32, #tpu.memory_space<hbm>>) target_semaphore(%run_scoped3A : memref<!tpu.dma_semaphore, #tpu.memory_space<semaphore_mem>>)
      %dma_wait3A_101 = arith.constant 0 : i32
      %dma_wait3A_102 = tpu.memref_slice %arg4[%mul3A_2, %dma_wait3A_101] : memref<18432x128xf32, #tpu.memory_space<hbm>> -> memref<576x128xf32, #tpu.memory_space<hbm>>
      %dma_wait3A_103 = arith.constant 0 : i32
      %dma_wait3A_104 = tpu.memref_slice %arg4[%mul3A_2, %dma_wait3A_103] : memref<18432x128xf32, #tpu.memory_space<hbm>> -> memref<576x128xf32, #tpu.memory_space<hbm>>
      tpu.wait_dma2 semaphore(%run_scoped3A : memref<!tpu.dma_semaphore, #tpu.memory_space<semaphore_mem>>) src(%arg6 : memref<576x128xf32, #tpu.memory_space<vmem>>) dst(%dma_wait3A_104 : memref<576x128xf32, #tpu.memory_space<hbm>>)
      tpu.yield
    }) : () -> ()
    return
  }
}

module attributes {stable_mosaic.version = 14 : i64} {
  func.func @_k1_body(%arg0: i32, %arg1: memref<1024x32xf32, #tpu.memory_space<vmem>>, %arg2: memref<1024x32xf32, #tpu.memory_space<vmem>>, %arg3: memref<1024x8x128xf32, #tpu.memory_space<vmem>>, %arg4: memref<1x1024x8xf32, #tpu.memory_space<vmem>>) attributes {dimension_semantics = [#tpu.dimension_semantics<arbitrary>], iteration_bounds = array<i64: 98>, scalar_prefetch = 0 : i64, scratch_operands = 0 : i64, tpu.core_type = #tpu.core_type<tc>, window_params = [{pipeline_mode = #tpu.pipeline_mode<synchronous>, transform_indices = @transform_0, window_bounds = array<i64: 1024, 32>}, {transform_indices = @transform_1, window_bounds = array<i64: 1024, 32>}, {transform_indices = @transform_2, window_bounds = array<i64: 1024, 8, 128>}, {transform_indices = @transform_3, window_bounds = array<i64: 1, 1024, 8>}]} {
    %get3A = arith.constant 0 : index
    %get3A_0 = arith.constant 0 : index
    %get3A_1 = vector.load %arg1[%get3A, %get3A_0] : memref<1024x32xf32, #tpu.memory_space<vmem>>, vector<1024x32xf32>
    %get3A_2 = arith.constant 0 : index
    %get3A_3 = arith.constant 0 : index
    %get3A_4 = vector.load %arg2[%get3A_2, %get3A_3] : memref<1024x32xf32, #tpu.memory_space<vmem>>, vector<128x32xf32>
    %dot_general3A = arith.constant dense<0.000000e+00> : vector<1024x128xf32>
    %dot_general3A_5 = tpu.matmul %get3A_1, %get3A_4, %dot_general3A {dimension_numbers = #tpu.dot_dimension_numbers<[1], [1], [0], [0], [0, 0, 1, 0], [], []>, transpose_lhs_hint = false} : vector<1024x32xf32>, vector<128x32xf32>, vector<1024x128xf32> -> vector<1024x128xf32>
    %iota3A = tpu.iota {dimensions = array<i32: 1>} : vector<1024x128xi32>
    %mul3A = arith.constant 1024 : i32
    %mul3A_6 = arith.muli %arg0, %mul3A : i32
    %add3A = vector.broadcast %mul3A_6 : i32 to vector<1024x128xi32>
    %add3A_7 = arith.addi %iota3A, %add3A : vector<1024x128xi32>
    %add3A_8 = arith.constant 0 : i32
    %add3A_9 = vector.broadcast %add3A_8 : i32 to vector<1024x128xi32>
    %add3A_10 = arith.addi %add3A_7, %add3A_9 : vector<1024x128xi32>
    %lt3A = arith.constant 100000 : i32
    %lt3A_11 = vector.broadcast %lt3A : i32 to vector<1024x128xi32>
    %lt3A_12 = arith.cmpi slt, %add3A_10, %lt3A_11 : vector<1024x128xi32>
    %jit3A = arith.constant 0xFF800000 : f32
    %broadcast_in_dim3A = vector.broadcast %jit3A : f32 to vector<1024x128xf32>
    %select_n3A = arith.select %lt3A_12, %dot_general3A_5, %broadcast_in_dim3A : vector<1024x128xi1>, vector<1024x128xf32>
    %swap3A = arith.constant 0 : index
    %swap3A_13 = arith.constant 0 : index
    %swap3A_14 = arith.constant 0 : index
    %swap3A_15 = vector.load %arg3[%swap3A, %swap3A_13, %swap3A_14] : memref<1024x8x128xf32, #tpu.memory_space<vmem>>, vector<1024x1x128xf32>
    %swap3A_16 = vector.shape_cast %swap3A_15 : vector<1024x1x128xf32> to vector<1024x128xf32>
    %swap3A_17 = vector.shape_cast %select_n3A : vector<1024x128xf32> to vector<1024x1x128xf32>
    tpu.vector_store %arg3[%swap3A, %swap3A_13, %swap3A_14], %swap3A_17 {strides = array<i32>} : memref<1024x8x128xf32, #tpu.memory_space<vmem>>, vector<1024x1x128xf32>,
    %reduce_max3A = arith.constant dense<0xFF800000> : vector<1024xf32>
    %reduce_max3A_18 = vector.multi_reduction <maximumf>, %select_n3A, %reduce_max3A [1] : vector<1024x128xf32> to vector<1024xf32>
    %broadcast_in_dim3A_19 = vector.shape_cast %reduce_max3A_18 : vector<1024xf32> to vector<1024x1xf32>
    %swap3A_20 = arith.constant 0 : index
    %swap3A_21 = arith.constant 0 : index
    %swap3A_22 = arith.constant 0 : index
    %swap3A_23 = vector.load %arg4[%swap3A_20, %swap3A_21, %swap3A_22] : memref<1x1024x8xf32, #tpu.memory_space<vmem>>, vector<1x1024x1xf32>
    %swap3A_24 = vector.shape_cast %swap3A_23 : vector<1x1024x1xf32> to vector<1024x1xf32>
    %swap3A_25 = vector.shape_cast %broadcast_in_dim3A_19 : vector<1024x1xf32> to vector<1x1024x1xf32>
    tpu.vector_store %arg4[%swap3A_20, %swap3A_21, %swap3A_22], %swap3A_25 {strides = array<i32>} : memref<1x1024x8xf32, #tpu.memory_space<vmem>>, vector<1x1024x1xf32>,
    %get3A_26 = arith.constant 128 : index
    %get3A_27 = arith.constant 0 : index
    %get3A_28 = vector.load %arg2[%get3A_26, %get3A_27] : memref<1024x32xf32, #tpu.memory_space<vmem>>, vector<128x32xf32>
    %dot_general3A_29 = arith.constant dense<0.000000e+00> : vector<1024x128xf32>
    %dot_general3A_30 = tpu.matmul %get3A_1, %get3A_28, %dot_general3A_29 {dimension_numbers = #tpu.dot_dimension_numbers<[1], [1], [0], [0], [0, 0, 1, 0], [], []>, transpose_lhs_hint = false} : vector<1024x32xf32>, vector<128x32xf32>, vector<1024x128xf32> -> vector<1024x128xf32>
    %iota3A_31 = tpu.iota {dimensions = array<i32: 1>} : vector<1024x128xi32>
    %mul3A_32 = arith.constant 1024 : i32
    %mul3A_33 = arith.muli %arg0, %mul3A_32 : i32
    %add3A_34 = vector.broadcast %mul3A_33 : i32 to vector<1024x128xi32>
    %add3A_35 = arith.addi %iota3A_31, %add3A_34 : vector<1024x128xi32>
    %add3A_36 = arith.constant 128 : i32
    %add3A_37 = vector.broadcast %add3A_36 : i32 to vector<1024x128xi32>
    %add3A_38 = arith.addi %add3A_35, %add3A_37 : vector<1024x128xi32>
    %lt3A_39 = arith.constant 100000 : i32
    %lt3A_40 = vector.broadcast %lt3A_39 : i32 to vector<1024x128xi32>
    %lt3A_41 = arith.cmpi slt, %add3A_38, %lt3A_40 : vector<1024x128xi32>
    %jit3A_42 = arith.constant 0xFF800000 : f32
    %broadcast_in_dim3A_43 = vector.broadcast %jit3A_42 : f32 to vector<1024x128xf32>
    %select_n3A_44 = arith.select %lt3A_41, %dot_general3A_30, %broadcast_in_dim3A_43 : vector<1024x128xi1>, vector<1024x128xf32>
    %swap3A_45 = arith.constant 0 : index
    %swap3A_46 = arith.constant 1 : index
    %swap3A_47 = arith.constant 0 : index
    %swap3A_48 = vector.load %arg3[%swap3A_45, %swap3A_46, %swap3A_47] : memref<1024x8x128xf32, #tpu.memory_space<vmem>>, vector<1024x1x128xf32>
    %swap3A_49 = vector.shape_cast %swap3A_48 : vector<1024x1x128xf32> to vector<1024x128xf32>
    %swap3A_50 = vector.shape_cast %select_n3A_44 : vector<1024x128xf32> to vector<1024x1x128xf32>
    tpu.vector_store %arg3[%swap3A_45, %swap3A_46, %swap3A_47], %swap3A_50 {strides = array<i32>} : memref<1024x8x128xf32, #tpu.memory_space<vmem>>, vector<1024x1x128xf32>,
    %reduce_max3A_51 = arith.constant dense<0xFF800000> : vector<1024xf32>
    %reduce_max3A_52 = vector.multi_reduction <maximumf>, %select_n3A_44, %reduce_max3A_51 [1] : vector<1024x128xf32> to vector<1024xf32>
    %broadcast_in_dim3A_53 = vector.shape_cast %reduce_max3A_52 : vector<1024xf32> to vector<1024x1xf32>
    %swap3A_54 = arith.constant 0 : index
    %swap3A_55 = arith.constant 0 : index
    %swap3A_56 = arith.constant 1 : index
    %swap3A_57 = vector.load %arg4[%swap3A_54, %swap3A_55, %swap3A_56] : memref<1x1024x8xf32, #tpu.memory_space<vmem>>, vector<1x1024x1xf32>
    %swap3A_58 = vector.shape_cast %swap3A_57 : vector<1x1024x1xf32> to vector<1024x1xf32>
    %swap3A_59 = vector.shape_cast %broadcast_in_dim3A_53 : vector<1024x1xf32> to vector<1x1024x1xf32>
    tpu.vector_store %arg4[%swap3A_54, %swap3A_55, %swap3A_56], %swap3A_59 {strides = array<i32>} : memref<1x1024x8xf32, #tpu.memory_space<vmem>>, vector<1x1024x1xf32>,
    %get3A_60 = arith.constant 256 : index
    %get3A_61 = arith.constant 0 : index
    %get3A_62 = vector.load %arg2[%get3A_60, %get3A_61] : memref<1024x32xf32, #tpu.memory_space<vmem>>, vector<128x32xf32>
    %dot_general3A_63 = arith.constant dense<0.000000e+00> : vector<1024x128xf32>
    %dot_general3A_64 = tpu.matmul %get3A_1, %get3A_62, %dot_general3A_63 {dimension_numbers = #tpu.dot_dimension_numbers<[1], [1], [0], [0], [0, 0, 1, 0], [], []>, transpose_lhs_hint = false} : vector<1024x32xf32>, vector<128x32xf32>, vector<1024x128xf32> -> vector<1024x128xf32>
    %iota3A_65 = tpu.iota {dimensions = array<i32: 1>} : vector<1024x128xi32>
    %mul3A_66 = arith.constant 1024 : i32
    %mul3A_67 = arith.muli %arg0, %mul3A_66 : i32
    %add3A_68 = vector.broadcast %mul3A_67 : i32 to vector<1024x128xi32>
    %add3A_69 = arith.addi %iota3A_65, %add3A_68 : vector<1024x128xi32>
    %add3A_70 = arith.constant 256 : i32
    %add3A_71 = vector.broadcast %add3A_70 : i32 to vector<1024x128xi32>
    %add3A_72 = arith.addi %add3A_69, %add3A_71 : vector<1024x128xi32>
    %lt3A_73 = arith.constant 100000 : i32
    %lt3A_74 = vector.broadcast %lt3A_73 : i32 to vector<1024x128xi32>
    %lt3A_75 = arith.cmpi slt, %add3A_72, %lt3A_74 : vector<1024x128xi32>
    %jit3A_76 = arith.constant 0xFF800000 : f32
    %broadcast_in_dim3A_77 = vector.broadcast %jit3A_76 : f32 to vector<1024x128xf32>
    %select_n3A_78 = arith.select %lt3A_75, %dot_general3A_64, %broadcast_in_dim3A_77 : vector<1024x128xi1>, vector<1024x128xf32>
    %swap3A_79 = arith.constant 0 : index
    %swap3A_80 = arith.constant 2 : index
    %swap3A_81 = arith.constant 0 : index
    %swap3A_82 = vector.load %arg3[%swap3A_79, %swap3A_80, %swap3A_81] : memref<1024x8x128xf32, #tpu.memory_space<vmem>>, vector<1024x1x128xf32>
    %swap3A_83 = vector.shape_cast %swap3A_82 : vector<1024x1x128xf32> to vector<1024x128xf32>
    %swap3A_84 = vector.shape_cast %select_n3A_78 : vector<1024x128xf32> to vector<1024x1x128xf32>
    tpu.vector_store %arg3[%swap3A_79, %swap3A_80, %swap3A_81], %swap3A_84 {strides = array<i32>} : memref<1024x8x128xf32, #tpu.memory_space<vmem>>, vector<1024x1x128xf32>,
    %reduce_max3A_85 = arith.constant dense<0xFF800000> : vector<1024xf32>
    %reduce_max3A_86 = vector.multi_reduction <maximumf>, %select_n3A_78, %reduce_max3A_85 [1] : vector<1024x128xf32> to vector<1024xf32>
    %broadcast_in_dim3A_87 = vector.shape_cast %reduce_max3A_86 : vector<1024xf32> to vector<1024x1xf32>
    %swap3A_88 = arith.constant 0 : index
    %swap3A_89 = arith.constant 0 : index
    %swap3A_90 = arith.constant 2 : index
    %swap3A_91 = vector.load %arg4[%swap3A_88, %swap3A_89, %swap3A_90] : memref<1x1024x8xf32, #tpu.memory_space<vmem>>, vector<1x1024x1xf32>
    %swap3A_92 = vector.shape_cast %swap3A_91 : vector<1x1024x1xf32> to vector<1024x1xf32>
    %swap3A_93 = vector.shape_cast %broadcast_in_dim3A_87 : vector<1024x1xf32> to vector<1x1024x1xf32>
    tpu.vector_store %arg4[%swap3A_88, %swap3A_89, %swap3A_90], %swap3A_93 {strides = array<i32>} : memref<1x1024x8xf32, #tpu.memory_space<vmem>>, vector<1x1024x1xf32>,
    %get3A_94 = arith.constant 384 : index
    %get3A_95 = arith.constant 0 : index
    %get3A_96 = vector.load %arg2[%get3A_94, %get3A_95] : memref<1024x32xf32, #tpu.memory_space<vmem>>, vector<128x32xf32>
    %dot_general3A_97 = arith.constant dense<0.000000e+00> : vector<1024x128xf32>
    %dot_general3A_98 = tpu.matmul %get3A_1, %get3A_96, %dot_general3A_97 {dimension_numbers = #tpu.dot_dimension_numbers<[1], [1], [0], [0], [0, 0, 1, 0], [], []>, transpose_lhs_hint = false} : vector<1024x32xf32>, vector<128x32xf32>, vector<1024x128xf32> -> vector<1024x128xf32>
    %iota3A_99 = tpu.iota {dimensions = array<i32: 1>} : vector<1024x128xi32>
    %mul3A_100 = arith.constant 1024 : i32
    %mul3A_101 = arith.muli %arg0, %mul3A_100 : i32
    %add3A_102 = vector.broadcast %mul3A_101 : i32 to vector<1024x128xi32>
    %add3A_103 = arith.addi %iota3A_99, %add3A_102 : vector<1024x128xi32>
    %add3A_104 = arith.constant 384 : i32
    %add3A_105 = vector.broadcast %add3A_104 : i32 to vector<1024x128xi32>
    %add3A_106 = arith.addi %add3A_103, %add3A_105 : vector<1024x128xi32>
    %lt3A_107 = arith.constant 100000 : i32
    %lt3A_108 = vector.broadcast %lt3A_107 : i32 to vector<1024x128xi32>
    %lt3A_109 = arith.cmpi slt, %add3A_106, %lt3A_108 : vector<1024x128xi32>
    %jit3A_110 = arith.constant 0xFF800000 : f32
    %broadcast_in_dim3A_111 = vector.broadcast %jit3A_110 : f32 to vector<1024x128xf32>
    %select_n3A_112 = arith.select %lt3A_109, %dot_general3A_98, %broadcast_in_dim3A_111 : vector<1024x128xi1>, vector<1024x128xf32>
    %swap3A_113 = arith.constant 0 : index
    %swap3A_114 = arith.constant 3 : index
    %swap3A_115 = arith.constant 0 : index
    %swap3A_116 = vector.load %arg3[%swap3A_113, %swap3A_114, %swap3A_115] : memref<1024x8x128xf32, #tpu.memory_space<vmem>>, vector<1024x1x128xf32>
    %swap3A_117 = vector.shape_cast %swap3A_116 : vector<1024x1x128xf32> to vector<1024x128xf32>
    %swap3A_118 = vector.shape_cast %select_n3A_112 : vector<1024x128xf32> to vector<1024x1x128xf32>
    tpu.vector_store %arg3[%swap3A_113, %swap3A_114, %swap3A_115], %swap3A_118 {strides = array<i32>} : memref<1024x8x128xf32, #tpu.memory_space<vmem>>, vector<1024x1x128xf32>,
    %reduce_max3A_119 = arith.constant dense<0xFF800000> : vector<1024xf32>
    %reduce_max3A_120 = vector.multi_reduction <maximumf>, %select_n3A_112, %reduce_max3A_119 [1] : vector<1024x128xf32> to vector<1024xf32>
    %broadcast_in_dim3A_121 = vector.shape_cast %reduce_max3A_120 : vector<1024xf32> to vector<1024x1xf32>
    %swap3A_122 = arith.constant 0 : index
    %swap3A_123 = arith.constant 0 : index
    %swap3A_124 = arith.constant 3 : index
    %swap3A_125 = vector.load %arg4[%swap3A_122, %swap3A_123, %swap3A_124] : memref<1x1024x8xf32, #tpu.memory_space<vmem>>, vector<1x1024x1xf32>
    %swap3A_126 = vector.shape_cast %swap3A_125 : vector<1x1024x1xf32> to vector<1024x1xf32>
    %swap3A_127 = vector.shape_cast %broadcast_in_dim3A_121 : vector<1024x1xf32> to vector<1x1024x1xf32>
    tpu.vector_store %arg4[%swap3A_122, %swap3A_123, %swap3A_124], %swap3A_127 {strides = array<i32>} : memref<1x1024x8xf32, #tpu.memory_space<vmem>>, vector<1x1024x1xf32>,
    %get3A_128 = arith.constant 512 : index
    %get3A_129 = arith.constant 0 : index
    %get3A_130 = vector.load %arg2[%get3A_128, %get3A_129] : memref<1024x32xf32, #tpu.memory_space<vmem>>, vector<128x32xf32>
    %dot_general3A_131 = arith.constant dense<0.000000e+00> : vector<1024x128xf32>
    %dot_general3A_132 = tpu.matmul %get3A_1, %get3A_130, %dot_general3A_131 {dimension_numbers = #tpu.dot_dimension_numbers<[1], [1], [0], [0], [0, 0, 1, 0], [], []>, transpose_lhs_hint = false} : vector<1024x32xf32>, vector<128x32xf32>, vector<1024x128xf32> -> vector<1024x128xf32>
    %iota3A_133 = tpu.iota {dimensions = array<i32: 1>} : vector<1024x128xi32>
    %mul3A_134 = arith.constant 1024 : i32
    %mul3A_135 = arith.muli %arg0, %mul3A_134 : i32
    %add3A_136 = vector.broadcast %mul3A_135 : i32 to vector<1024x128xi32>
    %add3A_137 = arith.addi %iota3A_133, %add3A_136 : vector<1024x128xi32>
    %add3A_138 = arith.constant 512 : i32
    %add3A_139 = vector.broadcast %add3A_138 : i32 to vector<1024x128xi32>
    %add3A_140 = arith.addi %add3A_137, %add3A_139 : vector<1024x128xi32>
    %lt3A_141 = arith.constant 100000 : i32
    %lt3A_142 = vector.broadcast %lt3A_141 : i32 to vector<1024x128xi32>
    %lt3A_143 = arith.cmpi slt, %add3A_140, %lt3A_142 : vector<1024x128xi32>
    %jit3A_144 = arith.constant 0xFF800000 : f32
    %broadcast_in_dim3A_145 = vector.broadcast %jit3A_144 : f32 to vector<1024x128xf32>
    %select_n3A_146 = arith.select %lt3A_143, %dot_general3A_132, %broadcast_in_dim3A_145 : vector<1024x128xi1>, vector<1024x128xf32>
    %swap3A_147 = arith.constant 0 : index
    %swap3A_148 = arith.constant 4 : index
    %swap3A_149 = arith.constant 0 : index
    %swap3A_150 = vector.load %arg3[%swap3A_147, %swap3A_148, %swap3A_149] : memref<1024x8x128xf32, #tpu.memory_space<vmem>>, vector<1024x1x128xf32>
    %swap3A_151 = vector.shape_cast %swap3A_150 : vector<1024x1x128xf32> to vector<1024x128xf32>
    %swap3A_152 = vector.shape_cast %select_n3A_146 : vector<1024x128xf32> to vector<1024x1x128xf32>
    tpu.vector_store %arg3[%swap3A_147, %swap3A_148, %swap3A_149], %swap3A_152 {strides = array<i32>} : memref<1024x8x128xf32, #tpu.memory_space<vmem>>, vector<1024x1x128xf32>,
    %reduce_max3A_153 = arith.constant dense<0xFF800000> : vector<1024xf32>
    %reduce_max3A_154 = vector.multi_reduction <maximumf>, %select_n3A_146, %reduce_max3A_153 [1] : vector<1024x128xf32> to vector<1024xf32>
    %broadcast_in_dim3A_155 = vector.shape_cast %reduce_max3A_154 : vector<1024xf32> to vector<1024x1xf32>
    %swap3A_156 = arith.constant 0 : index
    %swap3A_157 = arith.constant 0 : index
    %swap3A_158 = arith.constant 4 : index
    %swap3A_159 = vector.load %arg4[%swap3A_156, %swap3A_157, %swap3A_158] : memref<1x1024x8xf32, #tpu.memory_space<vmem>>, vector<1x1024x1xf32>
    %swap3A_160 = vector.shape_cast %swap3A_159 : vector<1x1024x1xf32> to vector<1024x1xf32>
    %swap3A_161 = vector.shape_cast %broadcast_in_dim3A_155 : vector<1024x1xf32> to vector<1x1024x1xf32>
    tpu.vector_store %arg4[%swap3A_156, %swap3A_157, %swap3A_158], %swap3A_161 {strides = array<i32>} : memref<1x1024x8xf32, #tpu.memory_space<vmem>>, vector<1x1024x1xf32>,
    %get3A_162 = arith.constant 640 : index
    %get3A_163 = arith.constant 0 : index
    %get3A_164 = vector.load %arg2[%get3A_162, %get3A_163] : memref<1024x32xf32, #tpu.memory_space<vmem>>, vector<128x32xf32>
    %dot_general3A_165 = arith.constant dense<0.000000e+00> : vector<1024x128xf32>
    %dot_general3A_166 = tpu.matmul %get3A_1, %get3A_164, %dot_general3A_165 {dimension_numbers = #tpu.dot_dimension_numbers<[1], [1], [0], [0], [0, 0, 1, 0], [], []>, transpose_lhs_hint = false} : vector<1024x32xf32>, vector<128x32xf32>, vector<1024x128xf32> -> vector<1024x128xf32>
    %iota3A_167 = tpu.iota {dimensions = array<i32: 1>} : vector<1024x128xi32>
    %mul3A_168 = arith.constant 1024 : i32
    %mul3A_169 = arith.muli %arg0, %mul3A_168 : i32
    %add3A_170 = vector.broadcast %mul3A_169 : i32 to vector<1024x128xi32>
    %add3A_171 = arith.addi %iota3A_167, %add3A_170 : vector<1024x128xi32>
    %add3A_172 = arith.constant 640 : i32
    %add3A_173 = vector.broadcast %add3A_172 : i32 to vector<1024x128xi32>
    %add3A_174 = arith.addi %add3A_171, %add3A_173 : vector<1024x128xi32>
    %lt3A_175 = arith.constant 100000 : i32
    %lt3A_176 = vector.broadcast %lt3A_175 : i32 to vector<1024x128xi32>
    %lt3A_177 = arith.cmpi slt, %add3A_174, %lt3A_176 : vector<1024x128xi32>
    %jit3A_178 = arith.constant 0xFF800000 : f32
    %broadcast_in_dim3A_179 = vector.broadcast %jit3A_178 : f32 to vector<1024x128xf32>
    %select_n3A_180 = arith.select %lt3A_177, %dot_general3A_166, %broadcast_in_dim3A_179 : vector<1024x128xi1>, vector<1024x128xf32>
    %swap3A_181 = arith.constant 0 : index
    %swap3A_182 = arith.constant 5 : index
    %swap3A_183 = arith.constant 0 : index
    %swap3A_184 = vector.load %arg3[%swap3A_181, %swap3A_182, %swap3A_183] : memref<1024x8x128xf32, #tpu.memory_space<vmem>>, vector<1024x1x128xf32>
    %swap3A_185 = vector.shape_cast %swap3A_184 : vector<1024x1x128xf32> to vector<1024x128xf32>
    %swap3A_186 = vector.shape_cast %select_n3A_180 : vector<1024x128xf32> to vector<1024x1x128xf32>
    tpu.vector_store %arg3[%swap3A_181, %swap3A_182, %swap3A_183], %swap3A_186 {strides = array<i32>} : memref<1024x8x128xf32, #tpu.memory_space<vmem>>, vector<1024x1x128xf32>,
    %reduce_max3A_187 = arith.constant dense<0xFF800000> : vector<1024xf32>
    %reduce_max3A_188 = vector.multi_reduction <maximumf>, %select_n3A_180, %reduce_max3A_187 [1] : vector<1024x128xf32> to vector<1024xf32>
    %broadcast_in_dim3A_189 = vector.shape_cast %reduce_max3A_188 : vector<1024xf32> to vector<1024x1xf32>
    %swap3A_190 = arith.constant 0 : index
    %swap3A_191 = arith.constant 0 : index
    %swap3A_192 = arith.constant 5 : index
    %swap3A_193 = vector.load %arg4[%swap3A_190, %swap3A_191, %swap3A_192] : memref<1x1024x8xf32, #tpu.memory_space<vmem>>, vector<1x1024x1xf32>
    %swap3A_194 = vector.shape_cast %swap3A_193 : vector<1x1024x1xf32> to vector<1024x1xf32>
    %swap3A_195 = vector.shape_cast %broadcast_in_dim3A_189 : vector<1024x1xf32> to vector<1x1024x1xf32>
    tpu.vector_store %arg4[%swap3A_190, %swap3A_191, %swap3A_192], %swap3A_195 {strides = array<i32>} : memref<1x1024x8xf32, #tpu.memory_space<vmem>>, vector<1x1024x1xf32>,
    %get3A_196 = arith.constant 768 : index
    %get3A_197 = arith.constant 0 : index
    %get3A_198 = vector.load %arg2[%get3A_196, %get3A_197] : memref<1024x32xf32, #tpu.memory_space<vmem>>, vector<128x32xf32>
    %dot_general3A_199 = arith.constant dense<0.000000e+00> : vector<1024x128xf32>
    %dot_general3A_200 = tpu.matmul %get3A_1, %get3A_198, %dot_general3A_199 {dimension_numbers = #tpu.dot_dimension_numbers<[1], [1], [0], [0], [0, 0, 1, 0], [], []>, transpose_lhs_hint = false} : vector<1024x32xf32>, vector<128x32xf32>, vector<1024x128xf32> -> vector<1024x128xf32>
    %iota3A_201 = tpu.iota {dimensions = array<i32: 1>} : vector<1024x128xi32>
    %mul3A_202 = arith.constant 1024 : i32
    %mul3A_203 = arith.muli %arg0, %mul3A_202 : i32
    %add3A_204 = vector.broadcast %mul3A_203 : i32 to vector<1024x128xi32>
    %add3A_205 = arith.addi %iota3A_201, %add3A_204 : vector<1024x128xi32>
    %add3A_206 = arith.constant 768 : i32
    %add3A_207 = vector.broadcast %add3A_206 : i32 to vector<1024x128xi32>
    %add3A_208 = arith.addi %add3A_205, %add3A_207 : vector<1024x128xi32>
    %lt3A_209 = arith.constant 100000 : i32
    %lt3A_210 = vector.broadcast %lt3A_209 : i32 to vector<1024x128xi32>
    %lt3A_211 = arith.cmpi slt, %add3A_208, %lt3A_210 : vector<1024x128xi32>
    %jit3A_212 = arith.constant 0xFF800000 : f32
    %broadcast_in_dim3A_213 = vector.broadcast %jit3A_212 : f32 to vector<1024x128xf32>
    %select_n3A_214 = arith.select %lt3A_211, %dot_general3A_200, %broadcast_in_dim3A_213 : vector<1024x128xi1>, vector<1024x128xf32>
    %swap3A_215 = arith.constant 0 : index
    %swap3A_216 = arith.constant 6 : index
    %swap3A_217 = arith.constant 0 : index
    %swap3A_218 = vector.load %arg3[%swap3A_215, %swap3A_216, %swap3A_217] : memref<1024x8x128xf32, #tpu.memory_space<vmem>>, vector<1024x1x128xf32>
    %swap3A_219 = vector.shape_cast %swap3A_218 : vector<1024x1x128xf32> to vector<1024x128xf32>
    %swap3A_220 = vector.shape_cast %select_n3A_214 : vector<1024x128xf32> to vector<1024x1x128xf32>
    tpu.vector_store %arg3[%swap3A_215, %swap3A_216, %swap3A_217], %swap3A_220 {strides = array<i32>} : memref<1024x8x128xf32, #tpu.memory_space<vmem>>, vector<1024x1x128xf32>,
    %reduce_max3A_221 = arith.constant dense<0xFF800000> : vector<1024xf32>
    %reduce_max3A_222 = vector.multi_reduction <maximumf>, %select_n3A_214, %reduce_max3A_221 [1] : vector<1024x128xf32> to vector<1024xf32>
    %broadcast_in_dim3A_223 = vector.shape_cast %reduce_max3A_222 : vector<1024xf32> to vector<1024x1xf32>
    %swap3A_224 = arith.constant 0 : index
    %swap3A_225 = arith.constant 0 : index
    %swap3A_226 = arith.constant 6 : index
    %swap3A_227 = vector.load %arg4[%swap3A_224, %swap3A_225, %swap3A_226] : memref<1x1024x8xf32, #tpu.memory_space<vmem>>, vector<1x1024x1xf32>
    %swap3A_228 = vector.shape_cast %swap3A_227 : vector<1x1024x1xf32> to vector<1024x1xf32>
    %swap3A_229 = vector.shape_cast %broadcast_in_dim3A_223 : vector<1024x1xf32> to vector<1x1024x1xf32>
    tpu.vector_store %arg4[%swap3A_224, %swap3A_225, %swap3A_226], %swap3A_229 {strides = array<i32>} : memref<1x1024x8xf32, #tpu.memory_space<vmem>>, vector<1x1024x1xf32>,
    %get3A_230 = arith.constant 896 : index
    %get3A_231 = arith.constant 0 : index
    %get3A_232 = vector.load %arg2[%get3A_230, %get3A_231] : memref<1024x32xf32, #tpu.memory_space<vmem>>, vector<128x32xf32>
    %dot_general3A_233 = arith.constant dense<0.000000e+00> : vector<1024x128xf32>
    %dot_general3A_234 = tpu.matmul %get3A_1, %get3A_232, %dot_general3A_233 {dimension_numbers = #tpu.dot_dimension_numbers<[1], [1], [0], [0], [0, 0, 1, 0], [], []>, transpose_lhs_hint = false} : vector<1024x32xf32>, vector<128x32xf32>, vector<1024x128xf32> -> vector<1024x128xf32>
    %iota3A_235 = tpu.iota {dimensions = array<i32: 1>} : vector<1024x128xi32>
    %mul3A_236 = arith.constant 1024 : i32
    %mul3A_237 = arith.muli %arg0, %mul3A_236 : i32
    %add3A_238 = vector.broadcast %mul3A_237 : i32 to vector<1024x128xi32>
    %add3A_239 = arith.addi %iota3A_235, %add3A_238 : vector<1024x128xi32>
    %add3A_240 = arith.constant 896 : i32
    %add3A_241 = vector.broadcast %add3A_240 : i32 to vector<1024x128xi32>
    %add3A_242 = arith.addi %add3A_239, %add3A_241 : vector<1024x128xi32>
    %lt3A_243 = arith.constant 100000 : i32
    %lt3A_244 = vector.broadcast %lt3A_243 : i32 to vector<1024x128xi32>
    %lt3A_245 = arith.cmpi slt, %add3A_242, %lt3A_244 : vector<1024x128xi32>
    %jit3A_246 = arith.constant 0xFF800000 : f32
    %broadcast_in_dim3A_247 = vector.broadcast %jit3A_246 : f32 to vector<1024x128xf32>
    %select_n3A_248 = arith.select %lt3A_245, %dot_general3A_234, %broadcast_in_dim3A_247 : vector<1024x128xi1>, vector<1024x128xf32>
    %swap3A_249 = arith.constant 0 : index
    %swap3A_250 = arith.constant 7 : index
    %swap3A_251 = arith.constant 0 : index
    %swap3A_252 = vector.load %arg3[%swap3A_249, %swap3A_250, %swap3A_251] : memref<1024x8x128xf32, #tpu.memory_space<vmem>>, vector<1024x1x128xf32>
    %swap3A_253 = vector.shape_cast %swap3A_252 : vector<1024x1x128xf32> to vector<1024x128xf32>
    %swap3A_254 = vector.shape_cast %select_n3A_248 : vector<1024x128xf32> to vector<1024x1x128xf32>
    tpu.vector_store %arg3[%swap3A_249, %swap3A_250, %swap3A_251], %swap3A_254 {strides = array<i32>} : memref<1024x8x128xf32, #tpu.memory_space<vmem>>, vector<1024x1x128xf32>,
    %reduce_max3A_255 = arith.constant dense<0xFF800000> : vector<1024xf32>
    %reduce_max3A_256 = vector.multi_reduction <maximumf>, %select_n3A_248, %reduce_max3A_255 [1] : vector<1024x128xf32> to vector<1024xf32>
    %broadcast_in_dim3A_257 = vector.shape_cast %reduce_max3A_256 : vector<1024xf32> to vector<1024x1xf32>
    %swap3A_258 = arith.constant 0 : index
    %swap3A_259 = arith.constant 0 : index
    %swap3A_260 = arith.constant 7 : index
    %swap3A_261 = vector.load %arg4[%swap3A_258, %swap3A_259, %swap3A_260] : memref<1x1024x8xf32, #tpu.memory_space<vmem>>, vector<1x1024x1xf32>
    %swap3A_262 = vector.shape_cast %swap3A_261 : vector<1x1024x1xf32> to vector<1024x1xf32>
    %swap3A_263 = vector.shape_cast %broadcast_in_dim3A_257 : vector<1024x1xf32> to vector<1x1024x1xf32>
    tpu.vector_store %arg4[%swap3A_258, %swap3A_259, %swap3A_260], %swap3A_263 {strides = array<i32>} : memref<1x1024x8xf32, #tpu.memory_space<vmem>>, vector<1x1024x1xf32>,
    return
  }
  func.func @transform_0(%arg0: i32) -> (i32, i32) {
    %c0_i32 = arith.constant 0 : i32
    %c0_i32_0 = arith.constant 0 : i32
    %c0_i32_1 = arith.constant 0 : i32
    return %c0_i32, %c0_i32_0 : i32, i32
  }
  func.func @transform_1(%arg0: i32) -> (i32, i32) {
    %c0_i32 = arith.constant 0 : i32
    %c0_i32_0 = arith.constant 0 : i32
    return %arg0, %c0_i32 : i32, i32
  }
  func.func @transform_2(%arg0: i32) -> (i32, i32, i32) {
    %c0_i32 = arith.constant 0 : i32
    %c0_i32_0 = arith.constant 0 : i32
    %c0_i32_1 = arith.constant 0 : i32
    return %c0_i32, %arg0, %c0_i32_0 : i32, i32, i32
  }
  func.func @transform_3(%arg0: i32) -> (i32, i32, i32) {
    %c0_i32 = arith.constant 0 : i32
    %c0_i32_0 = arith.constant 0 : i32
    %c0_i32_1 = arith.constant 0 : i32
    return %arg0, %c0_i32, %c0_i32_0 : i32, i32, i32
  }
}

module attributes {stable_mosaic.version = 14 : i64} {
  func.func @_k2_body(%arg0: memref<1024x896xf32, #tpu.memory_space<vmem>>, %arg1: memref<1024x18xi32, #tpu.memory_space<vmem>>, %arg2: memref<1024x18xi32, #tpu.memory_space<vmem>>) attributes {dimension_semantics = [], scalar_prefetch = 0 : i64, scratch_operands = 0 : i64, tpu.core_type = #tpu.core_type<tc>} {
    %get3A = arith.constant 0 : index
    %get3A_0 = arith.constant 0 : index
    %get3A_1 = vector.load %arg0[%get3A, %get3A_0] : memref<1024x896xf32, #tpu.memory_space<vmem>>, vector<1024x896xf32>
    %iota3A = tpu.iota {dimensions = array<i32: 1>} : vector<1024x896xi32>
    %iota3A_2 = tpu.iota {dimensions = array<i32: 0>} : vector<1024x1xi32>
    %reduce_max3A = arith.constant dense<0xFF800000> : vector<1024xf32>
    %reduce_max3A_3 = vector.multi_reduction <maximumf>, %get3A_1, %reduce_max3A [1] : vector<1024x896xf32> to vector<1024xf32>
    %broadcast_in_dim3A = vector.shape_cast %reduce_max3A_3 : vector<1024xf32> to vector<1024x1xf32>
    %eq3A = vector.broadcast %broadcast_in_dim3A : vector<1024x1xf32> to vector<1024x896xf32>
    %eq3A_4 = arith.cmpf oeq, %get3A_1, %eq3A : vector<1024x896xf32>
    %jit3A = arith.constant 2147483647 : i32
    %broadcast_in_dim3A_5 = vector.broadcast %jit3A : i32 to vector<1024x896xi32>
    %select_n3A = arith.select %eq3A_4, %iota3A, %broadcast_in_dim3A_5 : vector<1024x896xi1>, vector<1024x896xi32>
    %reduce_min3A = arith.constant dense<2147483647> : vector<1024xi32>
    %reduce_min3A_6 = vector.multi_reduction <minsi>, %select_n3A, %reduce_min3A [1] : vector<1024x896xi32> to vector<1024xi32>
    %broadcast_in_dim3A_7 = vector.shape_cast %reduce_min3A_6 : vector<1024xi32> to vector<1024x1xi32>
    %swap3A = arith.constant 0 : index
    %swap3A_8 = arith.constant 0 : index
    %swap3A_9 = vector.load %arg1[%swap3A, %swap3A_8] : memref<1024x18xi32, #tpu.memory_space<vmem>>, vector<1024x1xi32>
    tpu.vector_store %arg1[%swap3A, %swap3A_8], %broadcast_in_dim3A_7 {strides = array<i32>} : memref<1024x18xi32, #tpu.memory_space<vmem>>, vector<1024x1xi32>,
    %mul3A = arith.constant 784 : i32
    %mul3A_10 = vector.broadcast %mul3A : i32 to vector<1024x1xi32>
    %mul3A_11 = arith.muli %iota3A_2, %mul3A_10 : vector<1024x1xi32>
    %add3A = arith.addi %broadcast_in_dim3A_7, %mul3A_11 : vector<1024x1xi32>
    %swap3A_12 = arith.constant 0 : index
    %swap3A_13 = arith.constant 0 : index
    %swap3A_14 = vector.load %arg2[%swap3A_12, %swap3A_13] : memref<1024x18xi32, #tpu.memory_space<vmem>>, vector<1024x1xi32>
    tpu.vector_store %arg2[%swap3A_12, %swap3A_13], %add3A {strides = array<i32>} : memref<1024x18xi32, #tpu.memory_space<vmem>>, vector<1024x1xi32>,
    %eq3A_15 = vector.broadcast %broadcast_in_dim3A_7 : vector<1024x1xi32> to vector<1024x896xi32>
    %eq3A_16 = arith.cmpi eq, %iota3A, %eq3A_15 : vector<1024x896xi32>
    %jit3A_17 = arith.constant 0xFF800000 : f32
    %broadcast_in_dim3A_18 = vector.broadcast %jit3A_17 : f32 to vector<1024x896xf32>
    %select_n3A_19 = arith.select %eq3A_16, %broadcast_in_dim3A_18, %get3A_1 : vector<1024x896xi1>, vector<1024x896xf32>
    %reduce_max3A_20 = arith.constant dense<0xFF800000> : vector<1024xf32>
    %reduce_max3A_21 = vector.multi_reduction <maximumf>, %select_n3A_19, %reduce_max3A_20 [1] : vector<1024x896xf32> to vector<1024xf32>
    %broadcast_in_dim3A_22 = vector.shape_cast %reduce_max3A_21 : vector<1024xf32> to vector<1024x1xf32>
    %eq3A_23 = vector.broadcast %broadcast_in_dim3A_22 : vector<1024x1xf32> to vector<1024x896xf32>
    %eq3A_24 = arith.cmpf oeq, %select_n3A_19, %eq3A_23 : vector<1024x896xf32>
    %jit3A_25 = arith.constant 2147483647 : i32
    %broadcast_in_dim3A_26 = vector.broadcast %jit3A_25 : i32 to vector<1024x896xi32>
    %select_n3A_27 = arith.select %eq3A_24, %iota3A, %broadcast_in_dim3A_26 : vector<1024x896xi1>, vector<1024x896xi32>
    %reduce_min3A_28 = arith.constant dense<2147483647> : vector<1024xi32>
    %reduce_min3A_29 = vector.multi_reduction <minsi>, %select_n3A_27, %reduce_min3A_28 [1] : vector<1024x896xi32> to vector<1024xi32>
    %broadcast_in_dim3A_30 = vector.shape_cast %reduce_min3A_29 : vector<1024xi32> to vector<1024x1xi32>
    %swap3A_31 = arith.constant 0 : index
    %swap3A_32 = arith.constant 1 : index
    %swap3A_33 = vector.load %arg1[%swap3A_31, %swap3A_32] : memref<1024x18xi32, #tpu.memory_space<vmem>>, vector<1024x1xi32>
    tpu.vector_store %arg1[%swap3A_31, %swap3A_32], %broadcast_in_dim3A_30 {strides = array<i32>} : memref<1024x18xi32, #tpu.memory_space<vmem>>, vector<1024x1xi32>,
    %mul3A_34 = arith.constant 784 : i32
    %mul3A_35 = vector.broadcast %mul3A_34 : i32 to vector<1024x1xi32>
    %mul3A_36 = arith.muli %iota3A_2, %mul3A_35 : vector<1024x1xi32>
    %add3A_37 = arith.addi %broadcast_in_dim3A_30, %mul3A_36 : vector<1024x1xi32>
    %swap3A_38 = arith.constant 0 : index
    %swap3A_39 = arith.constant 1 : index
    %swap3A_40 = vector.load %arg2[%swap3A_38, %swap3A_39] : memref<1024x18xi32, #tpu.memory_space<vmem>>, vector<1024x1xi32>
    tpu.vector_store %arg2[%swap3A_38, %swap3A_39], %add3A_37 {strides = array<i32>} : memref<1024x18xi32, #tpu.memory_space<vmem>>, vector<1024x1xi32>,
    %eq3A_41 = vector.broadcast %broadcast_in_dim3A_30 : vector<1024x1xi32> to vector<1024x896xi32>
    %eq3A_42 = arith.cmpi eq, %iota3A, %eq3A_41 : vector<1024x896xi32>
    %jit3A_43 = arith.constant 0xFF800000 : f32
    %broadcast_in_dim3A_44 = vector.broadcast %jit3A_43 : f32 to vector<1024x896xf32>
    %select_n3A_45 = arith.select %eq3A_42, %broadcast_in_dim3A_44, %select_n3A_19 : vector<1024x896xi1>, vector<1024x896xf32>
    %reduce_max3A_46 = arith.constant dense<0xFF800000> : vector<1024xf32>
    %reduce_max3A_47 = vector.multi_reduction <maximumf>, %select_n3A_45, %reduce_max3A_46 [1] : vector<1024x896xf32> to vector<1024xf32>
    %broadcast_in_dim3A_48 = vector.shape_cast %reduce_max3A_47 : vector<1024xf32> to vector<1024x1xf32>
    %eq3A_49 = vector.broadcast %broadcast_in_dim3A_48 : vector<1024x1xf32> to vector<1024x896xf32>
    %eq3A_50 = arith.cmpf oeq, %select_n3A_45, %eq3A_49 : vector<1024x896xf32>
    %jit3A_51 = arith.constant 2147483647 : i32
    %broadcast_in_dim3A_52 = vector.broadcast %jit3A_51 : i32 to vector<1024x896xi32>
    %select_n3A_53 = arith.select %eq3A_50, %iota3A, %broadcast_in_dim3A_52 : vector<1024x896xi1>, vector<1024x896xi32>
    %reduce_min3A_54 = arith.constant dense<2147483647> : vector<1024xi32>
    %reduce_min3A_55 = vector.multi_reduction <minsi>, %select_n3A_53, %reduce_min3A_54 [1] : vector<1024x896xi32> to vector<1024xi32>
    %broadcast_in_dim3A_56 = vector.shape_cast %reduce_min3A_55 : vector<1024xi32> to vector<1024x1xi32>
    %swap3A_57 = arith.constant 0 : index
    %swap3A_58 = arith.constant 2 : index
    %swap3A_59 = vector.load %arg1[%swap3A_57, %swap3A_58] : memref<1024x18xi32, #tpu.memory_space<vmem>>, vector<1024x1xi32>
    tpu.vector_store %arg1[%swap3A_57, %swap3A_58], %broadcast_in_dim3A_56 {strides = array<i32>} : memref<1024x18xi32, #tpu.memory_space<vmem>>, vector<1024x1xi32>,
    %mul3A_60 = arith.constant 784 : i32
    %mul3A_61 = vector.broadcast %mul3A_60 : i32 to vector<1024x1xi32>
    %mul3A_62 = arith.muli %iota3A_2, %mul3A_61 : vector<1024x1xi32>
    %add3A_63 = arith.addi %broadcast_in_dim3A_56, %mul3A_62 : vector<1024x1xi32>
    %swap3A_64 = arith.constant 0 : index
    %swap3A_65 = arith.constant 2 : index
    %swap3A_66 = vector.load %arg2[%swap3A_64, %swap3A_65] : memref<1024x18xi32, #tpu.memory_space<vmem>>, vector<1024x1xi32>
    tpu.vector_store %arg2[%swap3A_64, %swap3A_65], %add3A_63 {strides = array<i32>} : memref<1024x18xi32, #tpu.memory_space<vmem>>, vector<1024x1xi32>,
    %eq3A_67 = vector.broadcast %broadcast_in_dim3A_56 : vector<1024x1xi32> to vector<1024x896xi32>
    %eq3A_68 = arith.cmpi eq, %iota3A, %eq3A_67 : vector<1024x896xi32>
    %jit3A_69 = arith.constant 0xFF800000 : f32
    %broadcast_in_dim3A_70 = vector.broadcast %jit3A_69 : f32 to vector<1024x896xf32>
    %select_n3A_71 = arith.select %eq3A_68, %broadcast_in_dim3A_70, %select_n3A_45 : vector<1024x896xi1>, vector<1024x896xf32>
    %reduce_max3A_72 = arith.constant dense<0xFF800000> : vector<1024xf32>
    %reduce_max3A_73 = vector.multi_reduction <maximumf>, %select_n3A_71, %reduce_max3A_72 [1] : vector<1024x896xf32> to vector<1024xf32>
    %broadcast_in_dim3A_74 = vector.shape_cast %reduce_max3A_73 : vector<1024xf32> to vector<1024x1xf32>
    %eq3A_75 = vector.broadcast %broadcast_in_dim3A_74 : vector<1024x1xf32> to vector<1024x896xf32>
    %eq3A_76 = arith.cmpf oeq, %select_n3A_71, %eq3A_75 : vector<1024x896xf32>
    %jit3A_77 = arith.constant 2147483647 : i32
    %broadcast_in_dim3A_78 = vector.broadcast %jit3A_77 : i32 to vector<1024x896xi32>
    %select_n3A_79 = arith.select %eq3A_76, %iota3A, %broadcast_in_dim3A_78 : vector<1024x896xi1>, vector<1024x896xi32>
    %reduce_min3A_80 = arith.constant dense<2147483647> : vector<1024xi32>
    %reduce_min3A_81 = vector.multi_reduction <minsi>, %select_n3A_79, %reduce_min3A_80 [1] : vector<1024x896xi32> to vector<1024xi32>
    %broadcast_in_dim3A_82 = vector.shape_cast %reduce_min3A_81 : vector<1024xi32> to vector<1024x1xi32>
    %swap3A_83 = arith.constant 0 : index
    %swap3A_84 = arith.constant 3 : index
    %swap3A_85 = vector.load %arg1[%swap3A_83, %swap3A_84] : memref<1024x18xi32, #tpu.memory_space<vmem>>, vector<1024x1xi32>
    tpu.vector_store %arg1[%swap3A_83, %swap3A_84], %broadcast_in_dim3A_82 {strides = array<i32>} : memref<1024x18xi32, #tpu.memory_space<vmem>>, vector<1024x1xi32>,
    %mul3A_86 = arith.constant 784 : i32
    %mul3A_87 = vector.broadcast %mul3A_86 : i32 to vector<1024x1xi32>
    %mul3A_88 = arith.muli %iota3A_2, %mul3A_87 : vector<1024x1xi32>
    %add3A_89 = arith.addi %broadcast_in_dim3A_82, %mul3A_88 : vector<1024x1xi32>
    %swap3A_90 = arith.constant 0 : index
    %swap3A_91 = arith.constant 3 : index
    %swap3A_92 = vector.load %arg2[%swap3A_90, %swap3A_91] : memref<1024x18xi32, #tpu.memory_space<vmem>>, vector<1024x1xi32>
    tpu.vector_store %arg2[%swap3A_90, %swap3A_91], %add3A_89 {strides = array<i32>} : memref<1024x18xi32, #tpu.memory_space<vmem>>, vector<1024x1xi32>,
    %eq3A_93 = vector.broadcast %broadcast_in_dim3A_82 : vector<1024x1xi32> to vector<1024x896xi32>
    %eq3A_94 = arith.cmpi eq, %iota3A, %eq3A_93 : vector<1024x896xi32>
    %jit3A_95 = arith.constant 0xFF800000 : f32
    %broadcast_in_dim3A_96 = vector.broadcast %jit3A_95 : f32 to vector<1024x896xf32>
    %select_n3A_97 = arith.select %eq3A_94, %broadcast_in_dim3A_96, %select_n3A_71 : vector<1024x896xi1>, vector<1024x896xf32>
    %reduce_max3A_98 = arith.constant dense<0xFF800000> : vector<1024xf32>
    %reduce_max3A_99 = vector.multi_reduction <maximumf>, %select_n3A_97, %reduce_max3A_98 [1] : vector<1024x896xf32> to vector<1024xf32>
    %broadcast_in_dim3A_100 = vector.shape_cast %reduce_max3A_99 : vector<1024xf32> to vector<1024x1xf32>
    %eq3A_101 = vector.broadcast %broadcast_in_dim3A_100 : vector<1024x1xf32> to vector<1024x896xf32>
    %eq3A_102 = arith.cmpf oeq, %select_n3A_97, %eq3A_101 : vector<1024x896xf32>
    %jit3A_103 = arith.constant 2147483647 : i32
    %broadcast_in_dim3A_104 = vector.broadcast %jit3A_103 : i32 to vector<1024x896xi32>
    %select_n3A_105 = arith.select %eq3A_102, %iota3A, %broadcast_in_dim3A_104 : vector<1024x896xi1>, vector<1024x896xi32>
    %reduce_min3A_106 = arith.constant dense<2147483647> : vector<1024xi32>
    %reduce_min3A_107 = vector.multi_reduction <minsi>, %select_n3A_105, %reduce_min3A_106 [1] : vector<1024x896xi32> to vector<1024xi32>
    %broadcast_in_dim3A_108 = vector.shape_cast %reduce_min3A_107 : vector<1024xi32> to vector<1024x1xi32>
    %swap3A_109 = arith.constant 0 : index
    %swap3A_110 = arith.constant 4 : index
    %swap3A_111 = vector.load %arg1[%swap3A_109, %swap3A_110] : memref<1024x18xi32, #tpu.memory_space<vmem>>, vector<1024x1xi32>
    tpu.vector_store %arg1[%swap3A_109, %swap3A_110], %broadcast_in_dim3A_108 {strides = array<i32>} : memref<1024x18xi32, #tpu.memory_space<vmem>>, vector<1024x1xi32>,
    %mul3A_112 = arith.constant 784 : i32
    %mul3A_113 = vector.broadcast %mul3A_112 : i32 to vector<1024x1xi32>
    %mul3A_114 = arith.muli %iota3A_2, %mul3A_113 : vector<1024x1xi32>
    %add3A_115 = arith.addi %broadcast_in_dim3A_108, %mul3A_114 : vector<1024x1xi32>
    %swap3A_116 = arith.constant 0 : index
    %swap3A_117 = arith.constant 4 : index
    %swap3A_118 = vector.load %arg2[%swap3A_116, %swap3A_117] : memref<1024x18xi32, #tpu.memory_space<vmem>>, vector<1024x1xi32>
    tpu.vector_store %arg2[%swap3A_116, %swap3A_117], %add3A_115 {strides = array<i32>} : memref<1024x18xi32, #tpu.memory_space<vmem>>, vector<1024x1xi32>,
    %eq3A_119 = vector.broadcast %broadcast_in_dim3A_108 : vector<1024x1xi32> to vector<1024x896xi32>
    %eq3A_120 = arith.cmpi eq, %iota3A, %eq3A_119 : vector<1024x896xi32>
    %jit3A_121 = arith.constant 0xFF800000 : f32
    %broadcast_in_dim3A_122 = vector.broadcast %jit3A_121 : f32 to vector<1024x896xf32>
    %select_n3A_123 = arith.select %eq3A_120, %broadcast_in_dim3A_122, %select_n3A_97 : vector<1024x896xi1>, vector<1024x896xf32>
    %reduce_max3A_124 = arith.constant dense<0xFF800000> : vector<1024xf32>
    %reduce_max3A_125 = vector.multi_reduction <maximumf>, %select_n3A_123, %reduce_max3A_124 [1] : vector<1024x896xf32> to vector<1024xf32>
    %broadcast_in_dim3A_126 = vector.shape_cast %reduce_max3A_125 : vector<1024xf32> to vector<1024x1xf32>
    %eq3A_127 = vector.broadcast %broadcast_in_dim3A_126 : vector<1024x1xf32> to vector<1024x896xf32>
    %eq3A_128 = arith.cmpf oeq, %select_n3A_123, %eq3A_127 : vector<1024x896xf32>
    %jit3A_129 = arith.constant 2147483647 : i32
    %broadcast_in_dim3A_130 = vector.broadcast %jit3A_129 : i32 to vector<1024x896xi32>
    %select_n3A_131 = arith.select %eq3A_128, %iota3A, %broadcast_in_dim3A_130 : vector<1024x896xi1>, vector<1024x896xi32>
    %reduce_min3A_132 = arith.constant dense<2147483647> : vector<1024xi32>
    %reduce_min3A_133 = vector.multi_reduction <minsi>, %select_n3A_131, %reduce_min3A_132 [1] : vector<1024x896xi32> to vector<1024xi32>
    %broadcast_in_dim3A_134 = vector.shape_cast %reduce_min3A_133 : vector<1024xi32> to vector<1024x1xi32>
    %swap3A_135 = arith.constant 0 : index
    %swap3A_136 = arith.constant 5 : index
    %swap3A_137 = vector.load %arg1[%swap3A_135, %swap3A_136] : memref<1024x18xi32, #tpu.memory_space<vmem>>, vector<1024x1xi32>
    tpu.vector_store %arg1[%swap3A_135, %swap3A_136], %broadcast_in_dim3A_134 {strides = array<i32>} : memref<1024x18xi32, #tpu.memory_space<vmem>>, vector<1024x1xi32>,
    %mul3A_138 = arith.constant 784 : i32
    %mul3A_139 = vector.broadcast %mul3A_138 : i32 to vector<1024x1xi32>
    %mul3A_140 = arith.muli %iota3A_2, %mul3A_139 : vector<1024x1xi32>
    %add3A_141 = arith.addi %broadcast_in_dim3A_134, %mul3A_140 : vector<1024x1xi32>
    %swap3A_142 = arith.constant 0 : index
    %swap3A_143 = arith.constant 5 : index
    %swap3A_144 = vector.load %arg2[%swap3A_142, %swap3A_143] : memref<1024x18xi32, #tpu.memory_space<vmem>>, vector<1024x1xi32>
    tpu.vector_store %arg2[%swap3A_142, %swap3A_143], %add3A_141 {strides = array<i32>} : memref<1024x18xi32, #tpu.memory_space<vmem>>, vector<1024x1xi32>,
    %eq3A_145 = vector.broadcast %broadcast_in_dim3A_134 : vector<1024x1xi32> to vector<1024x896xi32>
    %eq3A_146 = arith.cmpi eq, %iota3A, %eq3A_145 : vector<1024x896xi32>
    %jit3A_147 = arith.constant 0xFF800000 : f32
    %broadcast_in_dim3A_148 = vector.broadcast %jit3A_147 : f32 to vector<1024x896xf32>
    %select_n3A_149 = arith.select %eq3A_146, %broadcast_in_dim3A_148, %select_n3A_123 : vector<1024x896xi1>, vector<1024x896xf32>
    %reduce_max3A_150 = arith.constant dense<0xFF800000> : vector<1024xf32>
    %reduce_max3A_151 = vector.multi_reduction <maximumf>, %select_n3A_149, %reduce_max3A_150 [1] : vector<1024x896xf32> to vector<1024xf32>
    %broadcast_in_dim3A_152 = vector.shape_cast %reduce_max3A_151 : vector<1024xf32> to vector<1024x1xf32>
    %eq3A_153 = vector.broadcast %broadcast_in_dim3A_152 : vector<1024x1xf32> to vector<1024x896xf32>
    %eq3A_154 = arith.cmpf oeq, %select_n3A_149, %eq3A_153 : vector<1024x896xf32>
    %jit3A_155 = arith.constant 2147483647 : i32
    %broadcast_in_dim3A_156 = vector.broadcast %jit3A_155 : i32 to vector<1024x896xi32>
    %select_n3A_157 = arith.select %eq3A_154, %iota3A, %broadcast_in_dim3A_156 : vector<1024x896xi1>, vector<1024x896xi32>
    %reduce_min3A_158 = arith.constant dense<2147483647> : vector<1024xi32>
    %reduce_min3A_159 = vector.multi_reduction <minsi>, %select_n3A_157, %reduce_min3A_158 [1] : vector<1024x896xi32> to vector<1024xi32>
    %broadcast_in_dim3A_160 = vector.shape_cast %reduce_min3A_159 : vector<1024xi32> to vector<1024x1xi32>
    %swap3A_161 = arith.constant 0 : index
    %swap3A_162 = arith.constant 6 : index
    %swap3A_163 = vector.load %arg1[%swap3A_161, %swap3A_162] : memref<1024x18xi32, #tpu.memory_space<vmem>>, vector<1024x1xi32>
    tpu.vector_store %arg1[%swap3A_161, %swap3A_162], %broadcast_in_dim3A_160 {strides = array<i32>} : memref<1024x18xi32, #tpu.memory_space<vmem>>, vector<1024x1xi32>,
    %mul3A_164 = arith.constant 784 : i32
    %mul3A_165 = vector.broadcast %mul3A_164 : i32 to vector<1024x1xi32>
    %mul3A_166 = arith.muli %iota3A_2, %mul3A_165 : vector<1024x1xi32>
    %add3A_167 = arith.addi %broadcast_in_dim3A_160, %mul3A_166 : vector<1024x1xi32>
    %swap3A_168 = arith.constant 0 : index
    %swap3A_169 = arith.constant 6 : index
    %swap3A_170 = vector.load %arg2[%swap3A_168, %swap3A_169] : memref<1024x18xi32, #tpu.memory_space<vmem>>, vector<1024x1xi32>
    tpu.vector_store %arg2[%swap3A_168, %swap3A_169], %add3A_167 {strides = array<i32>} : memref<1024x18xi32, #tpu.memory_space<vmem>>, vector<1024x1xi32>,
    %eq3A_171 = vector.broadcast %broadcast_in_dim3A_160 : vector<1024x1xi32> to vector<1024x896xi32>
    %eq3A_172 = arith.cmpi eq, %iota3A, %eq3A_171 : vector<1024x896xi32>
    %jit3A_173 = arith.constant 0xFF800000 : f32
    %broadcast_in_dim3A_174 = vector.broadcast %jit3A_173 : f32 to vector<1024x896xf32>
    %select_n3A_175 = arith.select %eq3A_172, %broadcast_in_dim3A_174, %select_n3A_149 : vector<1024x896xi1>, vector<1024x896xf32>
    %reduce_max3A_176 = arith.constant dense<0xFF800000> : vector<1024xf32>
    %reduce_max3A_177 = vector.multi_reduction <maximumf>, %select_n3A_175, %reduce_max3A_176 [1] : vector<1024x896xf32> to vector<1024xf32>
    %broadcast_in_dim3A_178 = vector.shape_cast %reduce_max3A_177 : vector<1024xf32> to vector<1024x1xf32>
    %eq3A_179 = vector.broadcast %broadcast_in_dim3A_178 : vector<1024x1xf32> to vector<1024x896xf32>
    %eq3A_180 = arith.cmpf oeq, %select_n3A_175, %eq3A_179 : vector<1024x896xf32>
    %jit3A_181 = arith.constant 2147483647 : i32
    %broadcast_in_dim3A_182 = vector.broadcast %jit3A_181 : i32 to vector<1024x896xi32>
    %select_n3A_183 = arith.select %eq3A_180, %iota3A, %broadcast_in_dim3A_182 : vector<1024x896xi1>, vector<1024x896xi32>
    %reduce_min3A_184 = arith.constant dense<2147483647> : vector<1024xi32>
    %reduce_min3A_185 = vector.multi_reduction <minsi>, %select_n3A_183, %reduce_min3A_184 [1] : vector<1024x896xi32> to vector<1024xi32>
    %broadcast_in_dim3A_186 = vector.shape_cast %reduce_min3A_185 : vector<1024xi32> to vector<1024x1xi32>
    %swap3A_187 = arith.constant 0 : index
    %swap3A_188 = arith.constant 7 : index
    %swap3A_189 = vector.load %arg1[%swap3A_187, %swap3A_188] : memref<1024x18xi32, #tpu.memory_space<vmem>>, vector<1024x1xi32>
    tpu.vector_store %arg1[%swap3A_187, %swap3A_188], %broadcast_in_dim3A_186 {strides = array<i32>} : memref<1024x18xi32, #tpu.memory_space<vmem>>, vector<1024x1xi32>,
    %mul3A_190 = arith.constant 784 : i32
    %mul3A_191 = vector.broadcast %mul3A_190 : i32 to vector<1024x1xi32>
    %mul3A_192 = arith.muli %iota3A_2, %mul3A_191 : vector<1024x1xi32>
    %add3A_193 = arith.addi %broadcast_in_dim3A_186, %mul3A_192 : vector<1024x1xi32>
    %swap3A_194 = arith.constant 0 : index
    %swap3A_195 = arith.constant 7 : index
    %swap3A_196 = vector.load %arg2[%swap3A_194, %swap3A_195] : memref<1024x18xi32, #tpu.memory_space<vmem>>, vector<1024x1xi32>
    tpu.vector_store %arg2[%swap3A_194, %swap3A_195], %add3A_193 {strides = array<i32>} : memref<1024x18xi32, #tpu.memory_space<vmem>>, vector<1024x1xi32>,
    %eq3A_197 = vector.broadcast %broadcast_in_dim3A_186 : vector<1024x1xi32> to vector<1024x896xi32>
    %eq3A_198 = arith.cmpi eq, %iota3A, %eq3A_197 : vector<1024x896xi32>
    %jit3A_199 = arith.constant 0xFF800000 : f32
    %broadcast_in_dim3A_200 = vector.broadcast %jit3A_199 : f32 to vector<1024x896xf32>
    %select_n3A_201 = arith.select %eq3A_198, %broadcast_in_dim3A_200, %select_n3A_175 : vector<1024x896xi1>, vector<1024x896xf32>
    %reduce_max3A_202 = arith.constant dense<0xFF800000> : vector<1024xf32>
    %reduce_max3A_203 = vector.multi_reduction <maximumf>, %select_n3A_201, %reduce_max3A_202 [1] : vector<1024x896xf32> to vector<1024xf32>
    %broadcast_in_dim3A_204 = vector.shape_cast %reduce_max3A_203 : vector<1024xf32> to vector<1024x1xf32>
    %eq3A_205 = vector.broadcast %broadcast_in_dim3A_204 : vector<1024x1xf32> to vector<1024x896xf32>
    %eq3A_206 = arith.cmpf oeq, %select_n3A_201, %eq3A_205 : vector<1024x896xf32>
    %jit3A_207 = arith.constant 2147483647 : i32
    %broadcast_in_dim3A_208 = vector.broadcast %jit3A_207 : i32 to vector<1024x896xi32>
    %select_n3A_209 = arith.select %eq3A_206, %iota3A, %broadcast_in_dim3A_208 : vector<1024x896xi1>, vector<1024x896xi32>
    %reduce_min3A_210 = arith.constant dense<2147483647> : vector<1024xi32>
    %reduce_min3A_211 = vector.multi_reduction <minsi>, %select_n3A_209, %reduce_min3A_210 [1] : vector<1024x896xi32> to vector<1024xi32>
    %broadcast_in_dim3A_212 = vector.shape_cast %reduce_min3A_211 : vector<1024xi32> to vector<1024x1xi32>
    %swap3A_213 = arith.constant 0 : index
    %swap3A_214 = arith.constant 8 : index
    %swap3A_215 = vector.load %arg1[%swap3A_213, %swap3A_214] : memref<1024x18xi32, #tpu.memory_space<vmem>>, vector<1024x1xi32>
    tpu.vector_store %arg1[%swap3A_213, %swap3A_214], %broadcast_in_dim3A_212 {strides = array<i32>} : memref<1024x18xi32, #tpu.memory_space<vmem>>, vector<1024x1xi32>,
    %mul3A_216 = arith.constant 784 : i32
    %mul3A_217 = vector.broadcast %mul3A_216 : i32 to vector<1024x1xi32>
    %mul3A_218 = arith.muli %iota3A_2, %mul3A_217 : vector<1024x1xi32>
    %add3A_219 = arith.addi %broadcast_in_dim3A_212, %mul3A_218 : vector<1024x1xi32>
    %swap3A_220 = arith.constant 0 : index
    %swap3A_221 = arith.constant 8 : index
    %swap3A_222 = vector.load %arg2[%swap3A_220, %swap3A_221] : memref<1024x18xi32, #tpu.memory_space<vmem>>, vector<1024x1xi32>
    tpu.vector_store %arg2[%swap3A_220, %swap3A_221], %add3A_219 {strides = array<i32>} : memref<1024x18xi32, #tpu.memory_space<vmem>>, vector<1024x1xi32>,
    %eq3A_223 = vector.broadcast %broadcast_in_dim3A_212 : vector<1024x1xi32> to vector<1024x896xi32>
    %eq3A_224 = arith.cmpi eq, %iota3A, %eq3A_223 : vector<1024x896xi32>
    %jit3A_225 = arith.constant 0xFF800000 : f32
    %broadcast_in_dim3A_226 = vector.broadcast %jit3A_225 : f32 to vector<1024x896xf32>
    %select_n3A_227 = arith.select %eq3A_224, %broadcast_in_dim3A_226, %select_n3A_201 : vector<1024x896xi1>, vector<1024x896xf32>
    %reduce_max3A_228 = arith.constant dense<0xFF800000> : vector<1024xf32>
    %reduce_max3A_229 = vector.multi_reduction <maximumf>, %select_n3A_227, %reduce_max3A_228 [1] : vector<1024x896xf32> to vector<1024xf32>
    %broadcast_in_dim3A_230 = vector.shape_cast %reduce_max3A_229 : vector<1024xf32> to vector<1024x1xf32>
    %eq3A_231 = vector.broadcast %broadcast_in_dim3A_230 : vector<1024x1xf32> to vector<1024x896xf32>
    %eq3A_232 = arith.cmpf oeq, %select_n3A_227, %eq3A_231 : vector<1024x896xf32>
    %jit3A_233 = arith.constant 2147483647 : i32
    %broadcast_in_dim3A_234 = vector.broadcast %jit3A_233 : i32 to vector<1024x896xi32>
    %select_n3A_235 = arith.select %eq3A_232, %iota3A, %broadcast_in_dim3A_234 : vector<1024x896xi1>, vector<1024x896xi32>
    %reduce_min3A_236 = arith.constant dense<2147483647> : vector<1024xi32>
    %reduce_min3A_237 = vector.multi_reduction <minsi>, %select_n3A_235, %reduce_min3A_236 [1] : vector<1024x896xi32> to vector<1024xi32>
    %broadcast_in_dim3A_238 = vector.shape_cast %reduce_min3A_237 : vector<1024xi32> to vector<1024x1xi32>
    %swap3A_239 = arith.constant 0 : index
    %swap3A_240 = arith.constant 9 : index
    %swap3A_241 = vector.load %arg1[%swap3A_239, %swap3A_240] : memref<1024x18xi32, #tpu.memory_space<vmem>>, vector<1024x1xi32>
    tpu.vector_store %arg1[%swap3A_239, %swap3A_240], %broadcast_in_dim3A_238 {strides = array<i32>} : memref<1024x18xi32, #tpu.memory_space<vmem>>, vector<1024x1xi32>,
    %mul3A_242 = arith.constant 784 : i32
    %mul3A_243 = vector.broadcast %mul3A_242 : i32 to vector<1024x1xi32>
    %mul3A_244 = arith.muli %iota3A_2, %mul3A_243 : vector<1024x1xi32>
    %add3A_245 = arith.addi %broadcast_in_dim3A_238, %mul3A_244 : vector<1024x1xi32>
    %swap3A_246 = arith.constant 0 : index
    %swap3A_247 = arith.constant 9 : index
    %swap3A_248 = vector.load %arg2[%swap3A_246, %swap3A_247] : memref<1024x18xi32, #tpu.memory_space<vmem>>, vector<1024x1xi32>
    tpu.vector_store %arg2[%swap3A_246, %swap3A_247], %add3A_245 {strides = array<i32>} : memref<1024x18xi32, #tpu.memory_space<vmem>>, vector<1024x1xi32>,
    %eq3A_249 = vector.broadcast %broadcast_in_dim3A_238 : vector<1024x1xi32> to vector<1024x896xi32>
    %eq3A_250 = arith.cmpi eq, %iota3A, %eq3A_249 : vector<1024x896xi32>
    %jit3A_251 = arith.constant 0xFF800000 : f32
    %broadcast_in_dim3A_252 = vector.broadcast %jit3A_251 : f32 to vector<1024x896xf32>
    %select_n3A_253 = arith.select %eq3A_250, %broadcast_in_dim3A_252, %select_n3A_227 : vector<1024x896xi1>, vector<1024x896xf32>
    %reduce_max3A_254 = arith.constant dense<0xFF800000> : vector<1024xf32>
    %reduce_max3A_255 = vector.multi_reduction <maximumf>, %select_n3A_253, %reduce_max3A_254 [1] : vector<1024x896xf32> to vector<1024xf32>
    %broadcast_in_dim3A_256 = vector.shape_cast %reduce_max3A_255 : vector<1024xf32> to vector<1024x1xf32>
    %eq3A_257 = vector.broadcast %broadcast_in_dim3A_256 : vector<1024x1xf32> to vector<1024x896xf32>
    %eq3A_258 = arith.cmpf oeq, %select_n3A_253, %eq3A_257 : vector<1024x896xf32>
    %jit3A_259 = arith.constant 2147483647 : i32
    %broadcast_in_dim3A_260 = vector.broadcast %jit3A_259 : i32 to vector<1024x896xi32>
    %select_n3A_261 = arith.select %eq3A_258, %iota3A, %broadcast_in_dim3A_260 : vector<1024x896xi1>, vector<1024x896xi32>
    %reduce_min3A_262 = arith.constant dense<2147483647> : vector<1024xi32>
    %reduce_min3A_263 = vector.multi_reduction <minsi>, %select_n3A_261, %reduce_min3A_262 [1] : vector<1024x896xi32> to vector<1024xi32>
    %broadcast_in_dim3A_264 = vector.shape_cast %reduce_min3A_263 : vector<1024xi32> to vector<1024x1xi32>
    %swap3A_265 = arith.constant 0 : index
    %swap3A_266 = arith.constant 10 : index
    %swap3A_267 = vector.load %arg1[%swap3A_265, %swap3A_266] : memref<1024x18xi32, #tpu.memory_space<vmem>>, vector<1024x1xi32>
    tpu.vector_store %arg1[%swap3A_265, %swap3A_266], %broadcast_in_dim3A_264 {strides = array<i32>} : memref<1024x18xi32, #tpu.memory_space<vmem>>, vector<1024x1xi32>,
    %mul3A_268 = arith.constant 784 : i32
    %mul3A_269 = vector.broadcast %mul3A_268 : i32 to vector<1024x1xi32>
    %mul3A_270 = arith.muli %iota3A_2, %mul3A_269 : vector<1024x1xi32>
    %add3A_271 = arith.addi %broadcast_in_dim3A_264, %mul3A_270 : vector<1024x1xi32>
    %swap3A_272 = arith.constant 0 : index
    %swap3A_273 = arith.constant 10 : index
    %swap3A_274 = vector.load %arg2[%swap3A_272, %swap3A_273] : memref<1024x18xi32, #tpu.memory_space<vmem>>, vector<1024x1xi32>
    tpu.vector_store %arg2[%swap3A_272, %swap3A_273], %add3A_271 {strides = array<i32>} : memref<1024x18xi32, #tpu.memory_space<vmem>>, vector<1024x1xi32>,
    %eq3A_275 = vector.broadcast %broadcast_in_dim3A_264 : vector<1024x1xi32> to vector<1024x896xi32>
    %eq3A_276 = arith.cmpi eq, %iota3A, %eq3A_275 : vector<1024x896xi32>
    %jit3A_277 = arith.constant 0xFF800000 : f32
    %broadcast_in_dim3A_278 = vector.broadcast %jit3A_277 : f32 to vector<1024x896xf32>
    %select_n3A_279 = arith.select %eq3A_276, %broadcast_in_dim3A_278, %select_n3A_253 : vector<1024x896xi1>, vector<1024x896xf32>
    %reduce_max3A_280 = arith.constant dense<0xFF800000> : vector<1024xf32>
    %reduce_max3A_281 = vector.multi_reduction <maximumf>, %select_n3A_279, %reduce_max3A_280 [1] : vector<1024x896xf32> to vector<1024xf32>
    %broadcast_in_dim3A_282 = vector.shape_cast %reduce_max3A_281 : vector<1024xf32> to vector<1024x1xf32>
    %eq3A_283 = vector.broadcast %broadcast_in_dim3A_282 : vector<1024x1xf32> to vector<1024x896xf32>
    %eq3A_284 = arith.cmpf oeq, %select_n3A_279, %eq3A_283 : vector<1024x896xf32>
    %jit3A_285 = arith.constant 2147483647 : i32
    %broadcast_in_dim3A_286 = vector.broadcast %jit3A_285 : i32 to vector<1024x896xi32>
    %select_n3A_287 = arith.select %eq3A_284, %iota3A, %broadcast_in_dim3A_286 : vector<1024x896xi1>, vector<1024x896xi32>
    %reduce_min3A_288 = arith.constant dense<2147483647> : vector<1024xi32>
    %reduce_min3A_289 = vector.multi_reduction <minsi>, %select_n3A_287, %reduce_min3A_288 [1] : vector<1024x896xi32> to vector<1024xi32>
    %broadcast_in_dim3A_290 = vector.shape_cast %reduce_min3A_289 : vector<1024xi32> to vector<1024x1xi32>
    %swap3A_291 = arith.constant 0 : index
    %swap3A_292 = arith.constant 11 : index
    %swap3A_293 = vector.load %arg1[%swap3A_291, %swap3A_292] : memref<1024x18xi32, #tpu.memory_space<vmem>>, vector<1024x1xi32>
    tpu.vector_store %arg1[%swap3A_291, %swap3A_292], %broadcast_in_dim3A_290 {strides = array<i32>} : memref<1024x18xi32, #tpu.memory_space<vmem>>, vector<1024x1xi32>,
    %mul3A_294 = arith.constant 784 : i32
    %mul3A_295 = vector.broadcast %mul3A_294 : i32 to vector<1024x1xi32>
    %mul3A_296 = arith.muli %iota3A_2, %mul3A_295 : vector<1024x1xi32>
    %add3A_297 = arith.addi %broadcast_in_dim3A_290, %mul3A_296 : vector<1024x1xi32>
    %swap3A_298 = arith.constant 0 : index
    %swap3A_299 = arith.constant 11 : index
    %swap3A_300 = vector.load %arg2[%swap3A_298, %swap3A_299] : memref<1024x18xi32, #tpu.memory_space<vmem>>, vector<1024x1xi32>
    tpu.vector_store %arg2[%swap3A_298, %swap3A_299], %add3A_297 {strides = array<i32>} : memref<1024x18xi32, #tpu.memory_space<vmem>>, vector<1024x1xi32>,
    %eq3A_301 = vector.broadcast %broadcast_in_dim3A_290 : vector<1024x1xi32> to vector<1024x896xi32>
    %eq3A_302 = arith.cmpi eq, %iota3A, %eq3A_301 : vector<1024x896xi32>
    %jit3A_303 = arith.constant 0xFF800000 : f32
    %broadcast_in_dim3A_304 = vector.broadcast %jit3A_303 : f32 to vector<1024x896xf32>
    %select_n3A_305 = arith.select %eq3A_302, %broadcast_in_dim3A_304, %select_n3A_279 : vector<1024x896xi1>, vector<1024x896xf32>
    %reduce_max3A_306 = arith.constant dense<0xFF800000> : vector<1024xf32>
    %reduce_max3A_307 = vector.multi_reduction <maximumf>, %select_n3A_305, %reduce_max3A_306 [1] : vector<1024x896xf32> to vector<1024xf32>
    %broadcast_in_dim3A_308 = vector.shape_cast %reduce_max3A_307 : vector<1024xf32> to vector<1024x1xf32>
    %eq3A_309 = vector.broadcast %broadcast_in_dim3A_308 : vector<1024x1xf32> to vector<1024x896xf32>
    %eq3A_310 = arith.cmpf oeq, %select_n3A_305, %eq3A_309 : vector<1024x896xf32>
    %jit3A_311 = arith.constant 2147483647 : i32
    %broadcast_in_dim3A_312 = vector.broadcast %jit3A_311 : i32 to vector<1024x896xi32>
    %select_n3A_313 = arith.select %eq3A_310, %iota3A, %broadcast_in_dim3A_312 : vector<1024x896xi1>, vector<1024x896xi32>
    %reduce_min3A_314 = arith.constant dense<2147483647> : vector<1024xi32>
    %reduce_min3A_315 = vector.multi_reduction <minsi>, %select_n3A_313, %reduce_min3A_314 [1] : vector<1024x896xi32> to vector<1024xi32>
    %broadcast_in_dim3A_316 = vector.shape_cast %reduce_min3A_315 : vector<1024xi32> to vector<1024x1xi32>
    %swap3A_317 = arith.constant 0 : index
    %swap3A_318 = arith.constant 12 : index
    %swap3A_319 = vector.load %arg1[%swap3A_317, %swap3A_318] : memref<1024x18xi32, #tpu.memory_space<vmem>>, vector<1024x1xi32>
    tpu.vector_store %arg1[%swap3A_317, %swap3A_318], %broadcast_in_dim3A_316 {strides = array<i32>} : memref<1024x18xi32, #tpu.memory_space<vmem>>, vector<1024x1xi32>,
    %mul3A_320 = arith.constant 784 : i32
    %mul3A_321 = vector.broadcast %mul3A_320 : i32 to vector<1024x1xi32>
    %mul3A_322 = arith.muli %iota3A_2, %mul3A_321 : vector<1024x1xi32>
    %add3A_323 = arith.addi %broadcast_in_dim3A_316, %mul3A_322 : vector<1024x1xi32>
    %swap3A_324 = arith.constant 0 : index
    %swap3A_325 = arith.constant 12 : index
    %swap3A_326 = vector.load %arg2[%swap3A_324, %swap3A_325] : memref<1024x18xi32, #tpu.memory_space<vmem>>, vector<1024x1xi32>
    tpu.vector_store %arg2[%swap3A_324, %swap3A_325], %add3A_323 {strides = array<i32>} : memref<1024x18xi32, #tpu.memory_space<vmem>>, vector<1024x1xi32>,
    %eq3A_327 = vector.broadcast %broadcast_in_dim3A_316 : vector<1024x1xi32> to vector<1024x896xi32>
    %eq3A_328 = arith.cmpi eq, %iota3A, %eq3A_327 : vector<1024x896xi32>
    %jit3A_329 = arith.constant 0xFF800000 : f32
    %broadcast_in_dim3A_330 = vector.broadcast %jit3A_329 : f32 to vector<1024x896xf32>
    %select_n3A_331 = arith.select %eq3A_328, %broadcast_in_dim3A_330, %select_n3A_305 : vector<1024x896xi1>, vector<1024x896xf32>
    %reduce_max3A_332 = arith.constant dense<0xFF800000> : vector<1024xf32>
    %reduce_max3A_333 = vector.multi_reduction <maximumf>, %select_n3A_331, %reduce_max3A_332 [1] : vector<1024x896xf32> to vector<1024xf32>
    %broadcast_in_dim3A_334 = vector.shape_cast %reduce_max3A_333 : vector<1024xf32> to vector<1024x1xf32>
    %eq3A_335 = vector.broadcast %broadcast_in_dim3A_334 : vector<1024x1xf32> to vector<1024x896xf32>
    %eq3A_336 = arith.cmpf oeq, %select_n3A_331, %eq3A_335 : vector<1024x896xf32>
    %jit3A_337 = arith.constant 2147483647 : i32
    %broadcast_in_dim3A_338 = vector.broadcast %jit3A_337 : i32 to vector<1024x896xi32>
    %select_n3A_339 = arith.select %eq3A_336, %iota3A, %broadcast_in_dim3A_338 : vector<1024x896xi1>, vector<1024x896xi32>
    %reduce_min3A_340 = arith.constant dense<2147483647> : vector<1024xi32>
    %reduce_min3A_341 = vector.multi_reduction <minsi>, %select_n3A_339, %reduce_min3A_340 [1] : vector<1024x896xi32> to vector<1024xi32>
    %broadcast_in_dim3A_342 = vector.shape_cast %reduce_min3A_341 : vector<1024xi32> to vector<1024x1xi32>
    %swap3A_343 = arith.constant 0 : index
    %swap3A_344 = arith.constant 13 : index
    %swap3A_345 = vector.load %arg1[%swap3A_343, %swap3A_344] : memref<1024x18xi32, #tpu.memory_space<vmem>>, vector<1024x1xi32>
    tpu.vector_store %arg1[%swap3A_343, %swap3A_344], %broadcast_in_dim3A_342 {strides = array<i32>} : memref<1024x18xi32, #tpu.memory_space<vmem>>, vector<1024x1xi32>,
    %mul3A_346 = arith.constant 784 : i32
    %mul3A_347 = vector.broadcast %mul3A_346 : i32 to vector<1024x1xi32>
    %mul3A_348 = arith.muli %iota3A_2, %mul3A_347 : vector<1024x1xi32>
    %add3A_349 = arith.addi %broadcast_in_dim3A_342, %mul3A_348 : vector<1024x1xi32>
    %swap3A_350 = arith.constant 0 : index
    %swap3A_351 = arith.constant 13 : index
    %swap3A_352 = vector.load %arg2[%swap3A_350, %swap3A_351] : memref<1024x18xi32, #tpu.memory_space<vmem>>, vector<1024x1xi32>
    tpu.vector_store %arg2[%swap3A_350, %swap3A_351], %add3A_349 {strides = array<i32>} : memref<1024x18xi32, #tpu.memory_space<vmem>>, vector<1024x1xi32>,
    %eq3A_353 = vector.broadcast %broadcast_in_dim3A_342 : vector<1024x1xi32> to vector<1024x896xi32>
    %eq3A_354 = arith.cmpi eq, %iota3A, %eq3A_353 : vector<1024x896xi32>
    %jit3A_355 = arith.constant 0xFF800000 : f32
    %broadcast_in_dim3A_356 = vector.broadcast %jit3A_355 : f32 to vector<1024x896xf32>
    %select_n3A_357 = arith.select %eq3A_354, %broadcast_in_dim3A_356, %select_n3A_331 : vector<1024x896xi1>, vector<1024x896xf32>
    %reduce_max3A_358 = arith.constant dense<0xFF800000> : vector<1024xf32>
    %reduce_max3A_359 = vector.multi_reduction <maximumf>, %select_n3A_357, %reduce_max3A_358 [1] : vector<1024x896xf32> to vector<1024xf32>
    %broadcast_in_dim3A_360 = vector.shape_cast %reduce_max3A_359 : vector<1024xf32> to vector<1024x1xf32>
    %eq3A_361 = vector.broadcast %broadcast_in_dim3A_360 : vector<1024x1xf32> to vector<1024x896xf32>
    %eq3A_362 = arith.cmpf oeq, %select_n3A_357, %eq3A_361 : vector<1024x896xf32>
    %jit3A_363 = arith.constant 2147483647 : i32
    %broadcast_in_dim3A_364 = vector.broadcast %jit3A_363 : i32 to vector<1024x896xi32>
    %select_n3A_365 = arith.select %eq3A_362, %iota3A, %broadcast_in_dim3A_364 : vector<1024x896xi1>, vector<1024x896xi32>
    %reduce_min3A_366 = arith.constant dense<2147483647> : vector<1024xi32>
    %reduce_min3A_367 = vector.multi_reduction <minsi>, %select_n3A_365, %reduce_min3A_366 [1] : vector<1024x896xi32> to vector<1024xi32>
    %broadcast_in_dim3A_368 = vector.shape_cast %reduce_min3A_367 : vector<1024xi32> to vector<1024x1xi32>
    %swap3A_369 = arith.constant 0 : index
    %swap3A_370 = arith.constant 14 : index
    %swap3A_371 = vector.load %arg1[%swap3A_369, %swap3A_370] : memref<1024x18xi32, #tpu.memory_space<vmem>>, vector<1024x1xi32>
    tpu.vector_store %arg1[%swap3A_369, %swap3A_370], %broadcast_in_dim3A_368 {strides = array<i32>} : memref<1024x18xi32, #tpu.memory_space<vmem>>, vector<1024x1xi32>,
    %mul3A_372 = arith.constant 784 : i32
    %mul3A_373 = vector.broadcast %mul3A_372 : i32 to vector<1024x1xi32>
    %mul3A_374 = arith.muli %iota3A_2, %mul3A_373 : vector<1024x1xi32>
    %add3A_375 = arith.addi %broadcast_in_dim3A_368, %mul3A_374 : vector<1024x1xi32>
    %swap3A_376 = arith.constant 0 : index
    %swap3A_377 = arith.constant 14 : index
    %swap3A_378 = vector.load %arg2[%swap3A_376, %swap3A_377] : memref<1024x18xi32, #tpu.memory_space<vmem>>, vector<1024x1xi32>
    tpu.vector_store %arg2[%swap3A_376, %swap3A_377], %add3A_375 {strides = array<i32>} : memref<1024x18xi32, #tpu.memory_space<vmem>>, vector<1024x1xi32>,
    %eq3A_379 = vector.broadcast %broadcast_in_dim3A_368 : vector<1024x1xi32> to vector<1024x896xi32>
    %eq3A_380 = arith.cmpi eq, %iota3A, %eq3A_379 : vector<1024x896xi32>
    %jit3A_381 = arith.constant 0xFF800000 : f32
    %broadcast_in_dim3A_382 = vector.broadcast %jit3A_381 : f32 to vector<1024x896xf32>
    %select_n3A_383 = arith.select %eq3A_380, %broadcast_in_dim3A_382, %select_n3A_357 : vector<1024x896xi1>, vector<1024x896xf32>
    %reduce_max3A_384 = arith.constant dense<0xFF800000> : vector<1024xf32>
    %reduce_max3A_385 = vector.multi_reduction <maximumf>, %select_n3A_383, %reduce_max3A_384 [1] : vector<1024x896xf32> to vector<1024xf32>
    %broadcast_in_dim3A_386 = vector.shape_cast %reduce_max3A_385 : vector<1024xf32> to vector<1024x1xf32>
    %eq3A_387 = vector.broadcast %broadcast_in_dim3A_386 : vector<1024x1xf32> to vector<1024x896xf32>
    %eq3A_388 = arith.cmpf oeq, %select_n3A_383, %eq3A_387 : vector<1024x896xf32>
    %jit3A_389 = arith.constant 2147483647 : i32
    %broadcast_in_dim3A_390 = vector.broadcast %jit3A_389 : i32 to vector<1024x896xi32>
    %select_n3A_391 = arith.select %eq3A_388, %iota3A, %broadcast_in_dim3A_390 : vector<1024x896xi1>, vector<1024x896xi32>
    %reduce_min3A_392 = arith.constant dense<2147483647> : vector<1024xi32>
    %reduce_min3A_393 = vector.multi_reduction <minsi>, %select_n3A_391, %reduce_min3A_392 [1] : vector<1024x896xi32> to vector<1024xi32>
    %broadcast_in_dim3A_394 = vector.shape_cast %reduce_min3A_393 : vector<1024xi32> to vector<1024x1xi32>
    %swap3A_395 = arith.constant 0 : index
    %swap3A_396 = arith.constant 15 : index
    %swap3A_397 = vector.load %arg1[%swap3A_395, %swap3A_396] : memref<1024x18xi32, #tpu.memory_space<vmem>>, vector<1024x1xi32>
    tpu.vector_store %arg1[%swap3A_395, %swap3A_396], %broadcast_in_dim3A_394 {strides = array<i32>} : memref<1024x18xi32, #tpu.memory_space<vmem>>, vector<1024x1xi32>,
    %mul3A_398 = arith.constant 784 : i32
    %mul3A_399 = vector.broadcast %mul3A_398 : i32 to vector<1024x1xi32>
    %mul3A_400 = arith.muli %iota3A_2, %mul3A_399 : vector<1024x1xi32>
    %add3A_401 = arith.addi %broadcast_in_dim3A_394, %mul3A_400 : vector<1024x1xi32>
    %swap3A_402 = arith.constant 0 : index
    %swap3A_403 = arith.constant 15 : index
    %swap3A_404 = vector.load %arg2[%swap3A_402, %swap3A_403] : memref<1024x18xi32, #tpu.memory_space<vmem>>, vector<1024x1xi32>
    tpu.vector_store %arg2[%swap3A_402, %swap3A_403], %add3A_401 {strides = array<i32>} : memref<1024x18xi32, #tpu.memory_space<vmem>>, vector<1024x1xi32>,
    %eq3A_405 = vector.broadcast %broadcast_in_dim3A_394 : vector<1024x1xi32> to vector<1024x896xi32>
    %eq3A_406 = arith.cmpi eq, %iota3A, %eq3A_405 : vector<1024x896xi32>
    %jit3A_407 = arith.constant 0xFF800000 : f32
    %broadcast_in_dim3A_408 = vector.broadcast %jit3A_407 : f32 to vector<1024x896xf32>
    %select_n3A_409 = arith.select %eq3A_406, %broadcast_in_dim3A_408, %select_n3A_383 : vector<1024x896xi1>, vector<1024x896xf32>
    %reduce_max3A_410 = arith.constant dense<0xFF800000> : vector<1024xf32>
    %reduce_max3A_411 = vector.multi_reduction <maximumf>, %select_n3A_409, %reduce_max3A_410 [1] : vector<1024x896xf32> to vector<1024xf32>
    %broadcast_in_dim3A_412 = vector.shape_cast %reduce_max3A_411 : vector<1024xf32> to vector<1024x1xf32>
    %eq3A_413 = vector.broadcast %broadcast_in_dim3A_412 : vector<1024x1xf32> to vector<1024x896xf32>
    %eq3A_414 = arith.cmpf oeq, %select_n3A_409, %eq3A_413 : vector<1024x896xf32>
    %jit3A_415 = arith.constant 2147483647 : i32
    %broadcast_in_dim3A_416 = vector.broadcast %jit3A_415 : i32 to vector<1024x896xi32>
    %select_n3A_417 = arith.select %eq3A_414, %iota3A, %broadcast_in_dim3A_416 : vector<1024x896xi1>, vector<1024x896xi32>
    %reduce_min3A_418 = arith.constant dense<2147483647> : vector<1024xi32>
    %reduce_min3A_419 = vector.multi_reduction <minsi>, %select_n3A_417, %reduce_min3A_418 [1] : vector<1024x896xi32> to vector<1024xi32>
    %broadcast_in_dim3A_420 = vector.shape_cast %reduce_min3A_419 : vector<1024xi32> to vector<1024x1xi32>
    %swap3A_421 = arith.constant 0 : index
    %swap3A_422 = arith.constant 16 : index
    %swap3A_423 = vector.load %arg1[%swap3A_421, %swap3A_422] : memref<1024x18xi32, #tpu.memory_space<vmem>>, vector<1024x1xi32>
    tpu.vector_store %arg1[%swap3A_421, %swap3A_422], %broadcast_in_dim3A_420 {strides = array<i32>} : memref<1024x18xi32, #tpu.memory_space<vmem>>, vector<1024x1xi32>,
    %mul3A_424 = arith.constant 784 : i32
    %mul3A_425 = vector.broadcast %mul3A_424 : i32 to vector<1024x1xi32>
    %mul3A_426 = arith.muli %iota3A_2, %mul3A_425 : vector<1024x1xi32>
    %add3A_427 = arith.addi %broadcast_in_dim3A_420, %mul3A_426 : vector<1024x1xi32>
    %swap3A_428 = arith.constant 0 : index
    %swap3A_429 = arith.constant 16 : index
    %swap3A_430 = vector.load %arg2[%swap3A_428, %swap3A_429] : memref<1024x18xi32, #tpu.memory_space<vmem>>, vector<1024x1xi32>
    tpu.vector_store %arg2[%swap3A_428, %swap3A_429], %add3A_427 {strides = array<i32>} : memref<1024x18xi32, #tpu.memory_space<vmem>>, vector<1024x1xi32>,
    %eq3A_431 = vector.broadcast %broadcast_in_dim3A_420 : vector<1024x1xi32> to vector<1024x896xi32>
    %eq3A_432 = arith.cmpi eq, %iota3A, %eq3A_431 : vector<1024x896xi32>
    %jit3A_433 = arith.constant 0xFF800000 : f32
    %broadcast_in_dim3A_434 = vector.broadcast %jit3A_433 : f32 to vector<1024x896xf32>
    %select_n3A_435 = arith.select %eq3A_432, %broadcast_in_dim3A_434, %select_n3A_409 : vector<1024x896xi1>, vector<1024x896xf32>
    %reduce_max3A_436 = arith.constant dense<0xFF800000> : vector<1024xf32>
    %reduce_max3A_437 = vector.multi_reduction <maximumf>, %select_n3A_435, %reduce_max3A_436 [1] : vector<1024x896xf32> to vector<1024xf32>
    %broadcast_in_dim3A_438 = vector.shape_cast %reduce_max3A_437 : vector<1024xf32> to vector<1024x1xf32>
    %eq3A_439 = vector.broadcast %broadcast_in_dim3A_438 : vector<1024x1xf32> to vector<1024x896xf32>
    %eq3A_440 = arith.cmpf oeq, %select_n3A_435, %eq3A_439 : vector<1024x896xf32>
    %jit3A_441 = arith.constant 2147483647 : i32
    %broadcast_in_dim3A_442 = vector.broadcast %jit3A_441 : i32 to vector<1024x896xi32>
    %select_n3A_443 = arith.select %eq3A_440, %iota3A, %broadcast_in_dim3A_442 : vector<1024x896xi1>, vector<1024x896xi32>
    %reduce_min3A_444 = arith.constant dense<2147483647> : vector<1024xi32>
    %reduce_min3A_445 = vector.multi_reduction <minsi>, %select_n3A_443, %reduce_min3A_444 [1] : vector<1024x896xi32> to vector<1024xi32>
    %broadcast_in_dim3A_446 = vector.shape_cast %reduce_min3A_445 : vector<1024xi32> to vector<1024x1xi32>
    %swap3A_447 = arith.constant 0 : index
    %swap3A_448 = arith.constant 17 : index
    %swap3A_449 = vector.load %arg1[%swap3A_447, %swap3A_448] : memref<1024x18xi32, #tpu.memory_space<vmem>>, vector<1024x1xi32>
    tpu.vector_store %arg1[%swap3A_447, %swap3A_448], %broadcast_in_dim3A_446 {strides = array<i32>} : memref<1024x18xi32, #tpu.memory_space<vmem>>, vector<1024x1xi32>,
    %mul3A_450 = arith.constant 784 : i32
    %mul3A_451 = vector.broadcast %mul3A_450 : i32 to vector<1024x1xi32>
    %mul3A_452 = arith.muli %iota3A_2, %mul3A_451 : vector<1024x1xi32>
    %add3A_453 = arith.addi %broadcast_in_dim3A_446, %mul3A_452 : vector<1024x1xi32>
    %swap3A_454 = arith.constant 0 : index
    %swap3A_455 = arith.constant 17 : index
    %swap3A_456 = vector.load %arg2[%swap3A_454, %swap3A_455] : memref<1024x18xi32, #tpu.memory_space<vmem>>, vector<1024x1xi32>
    tpu.vector_store %arg2[%swap3A_454, %swap3A_455], %add3A_453 {strides = array<i32>} : memref<1024x18xi32, #tpu.memory_space<vmem>>, vector<1024x1xi32>,
    return
  }
}

module attributes {stable_mosaic.version = 14 : i64} {
  func.func @_k4_body(%arg0: i32, %arg1: memref<256x2304xf32, #tpu.memory_space<vmem>>, %arg2: memref<256x18xi32, #tpu.memory_space<vmem>>, %arg3: memref<256x16xf32, #tpu.memory_space<vmem>>, %arg4: memref<256x16xi32, #tpu.memory_space<vmem>>) attributes {dimension_semantics = [#tpu.dimension_semantics<arbitrary>], iteration_bounds = array<i64: 4>, scalar_prefetch = 0 : i64, scratch_operands = 0 : i64, tpu.core_type = #tpu.core_type<tc>, window_params = [{transform_indices = @transform_0, window_bounds = array<i64: 256, 2304>}, {transform_indices = @transform_1, window_bounds = array<i64: 256, 18>}, {transform_indices = @transform_2, window_bounds = array<i64: 256, 16>}, {transform_indices = @transform_3, window_bounds = array<i64: 256, 16>}]} {
    %get3A = arith.constant 0 : index
    %get3A_0 = arith.constant 0 : index
    %get3A_1 = vector.load %arg1[%get3A, %get3A_0] : memref<256x2304xf32, #tpu.memory_space<vmem>>, vector<256x2304xf32>
    %iota3A = tpu.iota {dimensions = array<i32: 1>} : vector<256x128xi32>
    %get3A_2 = arith.constant 0 : index
    %get3A_3 = arith.constant 0 : index
    %get3A_4 = vector.load %arg2[%get3A_2, %get3A_3] : memref<256x18xi32, #tpu.memory_space<vmem>>, vector<256x1xi32>
    %mul3A = arith.constant 128 : i32
    %mul3A_5 = vector.broadcast %mul3A : i32 to vector<256x1xi32>
    %mul3A_6 = arith.muli %get3A_4, %mul3A_5 : vector<256x1xi32>
    %add3A = vector.broadcast %mul3A_6 : vector<256x1xi32> to vector<256x128xi32>
    %add3A_7 = arith.addi %add3A, %iota3A : vector<256x128xi32>
    %get3A_8 = arith.constant 0 : index
    %get3A_9 = arith.constant 1 : index
    %get3A_10 = vector.load %arg2[%get3A_8, %get3A_9] : memref<256x18xi32, #tpu.memory_space<vmem>>, vector<256x1xi32>
    %mul3A_11 = arith.constant 128 : i32
    %mul3A_12 = vector.broadcast %mul3A_11 : i32 to vector<256x1xi32>
    %mul3A_13 = arith.muli %get3A_10, %mul3A_12 : vector<256x1xi32>
    %add3A_14 = vector.broadcast %mul3A_13 : vector<256x1xi32> to vector<256x128xi32>
    %add3A_15 = arith.addi %add3A_14, %iota3A : vector<256x128xi32>
    %get3A_16 = arith.constant 0 : index
    %get3A_17 = arith.constant 2 : index
    %get3A_18 = vector.load %arg2[%get3A_16, %get3A_17] : memref<256x18xi32, #tpu.memory_space<vmem>>, vector<256x1xi32>
    %mul3A_19 = arith.constant 128 : i32
    %mul3A_20 = vector.broadcast %mul3A_19 : i32 to vector<256x1xi32>
    %mul3A_21 = arith.muli %get3A_18, %mul3A_20 : vector<256x1xi32>
    %add3A_22 = vector.broadcast %mul3A_21 : vector<256x1xi32> to vector<256x128xi32>
    %add3A_23 = arith.addi %add3A_22, %iota3A : vector<256x128xi32>
    %get3A_24 = arith.constant 0 : index
    %get3A_25 = arith.constant 3 : index
    %get3A_26 = vector.load %arg2[%get3A_24, %get3A_25] : memref<256x18xi32, #tpu.memory_space<vmem>>, vector<256x1xi32>
    %mul3A_27 = arith.constant 128 : i32
    %mul3A_28 = vector.broadcast %mul3A_27 : i32 to vector<256x1xi32>
    %mul3A_29 = arith.muli %get3A_26, %mul3A_28 : vector<256x1xi32>
    %add3A_30 = vector.broadcast %mul3A_29 : vector<256x1xi32> to vector<256x128xi32>
    %add3A_31 = arith.addi %add3A_30, %iota3A : vector<256x128xi32>
    %get3A_32 = arith.constant 0 : index
    %get3A_33 = arith.constant 4 : index
    %get3A_34 = vector.load %arg2[%get3A_32, %get3A_33] : memref<256x18xi32, #tpu.memory_space<vmem>>, vector<256x1xi32>
    %mul3A_35 = arith.constant 128 : i32
    %mul3A_36 = vector.broadcast %mul3A_35 : i32 to vector<256x1xi32>
    %mul3A_37 = arith.muli %get3A_34, %mul3A_36 : vector<256x1xi32>
    %add3A_38 = vector.broadcast %mul3A_37 : vector<256x1xi32> to vector<256x128xi32>
    %add3A_39 = arith.addi %add3A_38, %iota3A : vector<256x128xi32>
    %get3A_40 = arith.constant 0 : index
    %get3A_41 = arith.constant 5 : index
    %get3A_42 = vector.load %arg2[%get3A_40, %get3A_41] : memref<256x18xi32, #tpu.memory_space<vmem>>, vector<256x1xi32>
    %mul3A_43 = arith.constant 128 : i32
    %mul3A_44 = vector.broadcast %mul3A_43 : i32 to vector<256x1xi32>
    %mul3A_45 = arith.muli %get3A_42, %mul3A_44 : vector<256x1xi32>
    %add3A_46 = vector.broadcast %mul3A_45 : vector<256x1xi32> to vector<256x128xi32>
    %add3A_47 = arith.addi %add3A_46, %iota3A : vector<256x128xi32>
    %get3A_48 = arith.constant 0 : index
    %get3A_49 = arith.constant 6 : index
    %get3A_50 = vector.load %arg2[%get3A_48, %get3A_49] : memref<256x18xi32, #tpu.memory_space<vmem>>, vector<256x1xi32>
    %mul3A_51 = arith.constant 128 : i32
    %mul3A_52 = vector.broadcast %mul3A_51 : i32 to vector<256x1xi32>
    %mul3A_53 = arith.muli %get3A_50, %mul3A_52 : vector<256x1xi32>
    %add3A_54 = vector.broadcast %mul3A_53 : vector<256x1xi32> to vector<256x128xi32>
    %add3A_55 = arith.addi %add3A_54, %iota3A : vector<256x128xi32>
    %get3A_56 = arith.constant 0 : index
    %get3A_57 = arith.constant 7 : index
    %get3A_58 = vector.load %arg2[%get3A_56, %get3A_57] : memref<256x18xi32, #tpu.memory_space<vmem>>, vector<256x1xi32>
    %mul3A_59 = arith.constant 128 : i32
    %mul3A_60 = vector.broadcast %mul3A_59 : i32 to vector<256x1xi32>
    %mul3A_61 = arith.muli %get3A_58, %mul3A_60 : vector<256x1xi32>
    %add3A_62 = vector.broadcast %mul3A_61 : vector<256x1xi32> to vector<256x128xi32>
    %add3A_63 = arith.addi %add3A_62, %iota3A : vector<256x128xi32>
    %get3A_64 = arith.constant 0 : index
    %get3A_65 = arith.constant 8 : index
    %get3A_66 = vector.load %arg2[%get3A_64, %get3A_65] : memref<256x18xi32, #tpu.memory_space<vmem>>, vector<256x1xi32>
    %mul3A_67 = arith.constant 128 : i32
    %mul3A_68 = vector.broadcast %mul3A_67 : i32 to vector<256x1xi32>
    %mul3A_69 = arith.muli %get3A_66, %mul3A_68 : vector<256x1xi32>
    %add3A_70 = vector.broadcast %mul3A_69 : vector<256x1xi32> to vector<256x128xi32>
    %add3A_71 = arith.addi %add3A_70, %iota3A : vector<256x128xi32>
    %get3A_72 = arith.constant 0 : index
    %get3A_73 = arith.constant 9 : index
    %get3A_74 = vector.load %arg2[%get3A_72, %get3A_73] : memref<256x18xi32, #tpu.memory_space<vmem>>, vector<256x1xi32>
    %mul3A_75 = arith.constant 128 : i32
    %mul3A_76 = vector.broadcast %mul3A_75 : i32 to vector<256x1xi32>
    %mul3A_77 = arith.muli %get3A_74, %mul3A_76 : vector<256x1xi32>
    %add3A_78 = vector.broadcast %mul3A_77 : vector<256x1xi32> to vector<256x128xi32>
    %add3A_79 = arith.addi %add3A_78, %iota3A : vector<256x128xi32>
    %get3A_80 = arith.constant 0 : index
    %get3A_81 = arith.constant 10 : index
    %get3A_82 = vector.load %arg2[%get3A_80, %get3A_81] : memref<256x18xi32, #tpu.memory_space<vmem>>, vector<256x1xi32>
    %mul3A_83 = arith.constant 128 : i32
    %mul3A_84 = vector.broadcast %mul3A_83 : i32 to vector<256x1xi32>
    %mul3A_85 = arith.muli %get3A_82, %mul3A_84 : vector<256x1xi32>
    %add3A_86 = vector.broadcast %mul3A_85 : vector<256x1xi32> to vector<256x128xi32>
    %add3A_87 = arith.addi %add3A_86, %iota3A : vector<256x128xi32>
    %get3A_88 = arith.constant 0 : index
    %get3A_89 = arith.constant 11 : index
    %get3A_90 = vector.load %arg2[%get3A_88, %get3A_89] : memref<256x18xi32, #tpu.memory_space<vmem>>, vector<256x1xi32>
    %mul3A_91 = arith.constant 128 : i32
    %mul3A_92 = vector.broadcast %mul3A_91 : i32 to vector<256x1xi32>
    %mul3A_93 = arith.muli %get3A_90, %mul3A_92 : vector<256x1xi32>
    %add3A_94 = vector.broadcast %mul3A_93 : vector<256x1xi32> to vector<256x128xi32>
    %add3A_95 = arith.addi %add3A_94, %iota3A : vector<256x128xi32>
    %get3A_96 = arith.constant 0 : index
    %get3A_97 = arith.constant 12 : index
    %get3A_98 = vector.load %arg2[%get3A_96, %get3A_97] : memref<256x18xi32, #tpu.memory_space<vmem>>, vector<256x1xi32>
    %mul3A_99 = arith.constant 128 : i32
    %mul3A_100 = vector.broadcast %mul3A_99 : i32 to vector<256x1xi32>
    %mul3A_101 = arith.muli %get3A_98, %mul3A_100 : vector<256x1xi32>
    %add3A_102 = vector.broadcast %mul3A_101 : vector<256x1xi32> to vector<256x128xi32>
    %add3A_103 = arith.addi %add3A_102, %iota3A : vector<256x128xi32>
    %get3A_104 = arith.constant 0 : index
    %get3A_105 = arith.constant 13 : index
    %get3A_106 = vector.load %arg2[%get3A_104, %get3A_105] : memref<256x18xi32, #tpu.memory_space<vmem>>, vector<256x1xi32>
    %mul3A_107 = arith.constant 128 : i32
    %mul3A_108 = vector.broadcast %mul3A_107 : i32 to vector<256x1xi32>
    %mul3A_109 = arith.muli %get3A_106, %mul3A_108 : vector<256x1xi32>
    %add3A_110 = vector.broadcast %mul3A_109 : vector<256x1xi32> to vector<256x128xi32>
    %add3A_111 = arith.addi %add3A_110, %iota3A : vector<256x128xi32>
    %get3A_112 = arith.constant 0 : index
    %get3A_113 = arith.constant 14 : index
    %get3A_114 = vector.load %arg2[%get3A_112, %get3A_113] : memref<256x18xi32, #tpu.memory_space<vmem>>, vector<256x1xi32>
    %mul3A_115 = arith.constant 128 : i32
    %mul3A_116 = vector.broadcast %mul3A_115 : i32 to vector<256x1xi32>
    %mul3A_117 = arith.muli %get3A_114, %mul3A_116 : vector<256x1xi32>
    %add3A_118 = vector.broadcast %mul3A_117 : vector<256x1xi32> to vector<256x128xi32>
    %add3A_119 = arith.addi %add3A_118, %iota3A : vector<256x128xi32>
    %get3A_120 = arith.constant 0 : index
    %get3A_121 = arith.constant 15 : index
    %get3A_122 = vector.load %arg2[%get3A_120, %get3A_121] : memref<256x18xi32, #tpu.memory_space<vmem>>, vector<256x1xi32>
    %mul3A_123 = arith.constant 128 : i32
    %mul3A_124 = vector.broadcast %mul3A_123 : i32 to vector<256x1xi32>
    %mul3A_125 = arith.muli %get3A_122, %mul3A_124 : vector<256x1xi32>
    %add3A_126 = vector.broadcast %mul3A_125 : vector<256x1xi32> to vector<256x128xi32>
    %add3A_127 = arith.addi %add3A_126, %iota3A : vector<256x128xi32>
    %get3A_128 = arith.constant 0 : index
    %get3A_129 = arith.constant 16 : index
    %get3A_130 = vector.load %arg2[%get3A_128, %get3A_129] : memref<256x18xi32, #tpu.memory_space<vmem>>, vector<256x1xi32>
    %mul3A_131 = arith.constant 128 : i32
    %mul3A_132 = vector.broadcast %mul3A_131 : i32 to vector<256x1xi32>
    %mul3A_133 = arith.muli %get3A_130, %mul3A_132 : vector<256x1xi32>
    %add3A_134 = vector.broadcast %mul3A_133 : vector<256x1xi32> to vector<256x128xi32>
    %add3A_135 = arith.addi %add3A_134, %iota3A : vector<256x128xi32>
    %get3A_136 = arith.constant 0 : index
    %get3A_137 = arith.constant 17 : index
    %get3A_138 = vector.load %arg2[%get3A_136, %get3A_137] : memref<256x18xi32, #tpu.memory_space<vmem>>, vector<256x1xi32>
    %mul3A_139 = arith.constant 128 : i32
    %mul3A_140 = vector.broadcast %mul3A_139 : i32 to vector<256x1xi32>
    %mul3A_141 = arith.muli %get3A_138, %mul3A_140 : vector<256x1xi32>
    %add3A_142 = vector.broadcast %mul3A_141 : vector<256x1xi32> to vector<256x128xi32>
    %add3A_143 = arith.addi %add3A_142, %iota3A : vector<256x128xi32>
    %concatenate3A = tpu.concatenate %add3A_7, %add3A_15, %add3A_23, %add3A_31, %add3A_39, %add3A_47, %add3A_55, %add3A_63, %add3A_71, %add3A_79, %add3A_87, %add3A_95, %add3A_103, %add3A_111, %add3A_119, %add3A_127, %add3A_135, %add3A_143 in 1 : vector<256x128xi32>, vector<256x128xi32>, vector<256x128xi32>, vector<256x128xi32>, vector<256x128xi32>, vector<256x128xi32>, vector<256x128xi32>, vector<256x128xi32>, vector<256x128xi32>, vector<256x128xi32>, vector<256x128xi32>, vector<256x128xi32>, vector<256x128xi32>, vector<256x128xi32>, vector<256x128xi32>, vector<256x128xi32>, vector<256x128xi32>, vector<256x128xi32> -> vector<256x2304xi32>
    %reduce_max3A = arith.constant dense<0xFF800000> : vector<256xf32>
    %reduce_max3A_144 = vector.multi_reduction <maximumf>, %get3A_1, %reduce_max3A [1] : vector<256x2304xf32> to vector<256xf32>
    %broadcast_in_dim3A = vector.shape_cast %reduce_max3A_144 : vector<256xf32> to vector<256x1xf32>
    %eq3A = vector.broadcast %broadcast_in_dim3A : vector<256x1xf32> to vector<256x2304xf32>
    %eq3A_145 = arith.cmpf oeq, %get3A_1, %eq3A : vector<256x2304xf32>
    %jit3A = arith.constant 2147483647 : i32
    %broadcast_in_dim3A_146 = vector.broadcast %jit3A : i32 to vector<256x2304xi32>
    %select_n3A = arith.select %eq3A_145, %concatenate3A, %broadcast_in_dim3A_146 : vector<256x2304xi1>, vector<256x2304xi32>
    %reduce_min3A = arith.constant dense<2147483647> : vector<256xi32>
    %reduce_min3A_147 = vector.multi_reduction <minsi>, %select_n3A, %reduce_min3A [1] : vector<256x2304xi32> to vector<256xi32>
    %broadcast_in_dim3A_148 = vector.shape_cast %reduce_min3A_147 : vector<256xi32> to vector<256x1xi32>
    %eq3A_149 = vector.broadcast %broadcast_in_dim3A_148 : vector<256x1xi32> to vector<256x2304xi32>
    %eq3A_150 = arith.cmpi eq, %concatenate3A, %eq3A_149 : vector<256x2304xi32>
    %jit3A_151 = arith.constant 0xFF800000 : f32
    %broadcast_in_dim3A_152 = vector.broadcast %jit3A_151 : f32 to vector<256x2304xf32>
    %select_n3A_153 = arith.select %eq3A_150, %broadcast_in_dim3A_152, %get3A_1 : vector<256x2304xi1>, vector<256x2304xf32>
    %reduce_max3A_154 = arith.constant dense<0xFF800000> : vector<256xf32>
    %reduce_max3A_155 = vector.multi_reduction <maximumf>, %select_n3A_153, %reduce_max3A_154 [1] : vector<256x2304xf32> to vector<256xf32>
    %broadcast_in_dim3A_156 = vector.shape_cast %reduce_max3A_155 : vector<256xf32> to vector<256x1xf32>
    %eq3A_157 = vector.broadcast %broadcast_in_dim3A_156 : vector<256x1xf32> to vector<256x2304xf32>
    %eq3A_158 = arith.cmpf oeq, %select_n3A_153, %eq3A_157 : vector<256x2304xf32>
    %jit3A_159 = arith.constant 2147483647 : i32
    %broadcast_in_dim3A_160 = vector.broadcast %jit3A_159 : i32 to vector<256x2304xi32>
    %select_n3A_161 = arith.select %eq3A_158, %concatenate3A, %broadcast_in_dim3A_160 : vector<256x2304xi1>, vector<256x2304xi32>
    %reduce_min3A_162 = arith.constant dense<2147483647> : vector<256xi32>
    %reduce_min3A_163 = vector.multi_reduction <minsi>, %select_n3A_161, %reduce_min3A_162 [1] : vector<256x2304xi32> to vector<256xi32>
    %broadcast_in_dim3A_164 = vector.shape_cast %reduce_min3A_163 : vector<256xi32> to vector<256x1xi32>
    %eq3A_165 = vector.broadcast %broadcast_in_dim3A_164 : vector<256x1xi32> to vector<256x2304xi32>
    %eq3A_166 = arith.cmpi eq, %concatenate3A, %eq3A_165 : vector<256x2304xi32>
    %jit3A_167 = arith.constant 0xFF800000 : f32
    %broadcast_in_dim3A_168 = vector.broadcast %jit3A_167 : f32 to vector<256x2304xf32>
    %select_n3A_169 = arith.select %eq3A_166, %broadcast_in_dim3A_168, %select_n3A_153 : vector<256x2304xi1>, vector<256x2304xf32>
    %reduce_max3A_170 = arith.constant dense<0xFF800000> : vector<256xf32>
    %reduce_max3A_171 = vector.multi_reduction <maximumf>, %select_n3A_169, %reduce_max3A_170 [1] : vector<256x2304xf32> to vector<256xf32>
    %broadcast_in_dim3A_172 = vector.shape_cast %reduce_max3A_171 : vector<256xf32> to vector<256x1xf32>
    %eq3A_173 = vector.broadcast %broadcast_in_dim3A_172 : vector<256x1xf32> to vector<256x2304xf32>
    %eq3A_174 = arith.cmpf oeq, %select_n3A_169, %eq3A_173 : vector<256x2304xf32>
    %jit3A_175 = arith.constant 2147483647 : i32
    %broadcast_in_dim3A_176 = vector.broadcast %jit3A_175 : i32 to vector<256x2304xi32>
    %select_n3A_177 = arith.select %eq3A_174, %concatenate3A, %broadcast_in_dim3A_176 : vector<256x2304xi1>, vector<256x2304xi32>
    %reduce_min3A_178 = arith.constant dense<2147483647> : vector<256xi32>
    %reduce_min3A_179 = vector.multi_reduction <minsi>, %select_n3A_177, %reduce_min3A_178 [1] : vector<256x2304xi32> to vector<256xi32>
    %broadcast_in_dim3A_180 = vector.shape_cast %reduce_min3A_179 : vector<256xi32> to vector<256x1xi32>
    %eq3A_181 = vector.broadcast %broadcast_in_dim3A_180 : vector<256x1xi32> to vector<256x2304xi32>
    %eq3A_182 = arith.cmpi eq, %concatenate3A, %eq3A_181 : vector<256x2304xi32>
    %jit3A_183 = arith.constant 0xFF800000 : f32
    %broadcast_in_dim3A_184 = vector.broadcast %jit3A_183 : f32 to vector<256x2304xf32>
    %select_n3A_185 = arith.select %eq3A_182, %broadcast_in_dim3A_184, %select_n3A_169 : vector<256x2304xi1>, vector<256x2304xf32>
    %reduce_max3A_186 = arith.constant dense<0xFF800000> : vector<256xf32>
    %reduce_max3A_187 = vector.multi_reduction <maximumf>, %select_n3A_185, %reduce_max3A_186 [1] : vector<256x2304xf32> to vector<256xf32>
    %broadcast_in_dim3A_188 = vector.shape_cast %reduce_max3A_187 : vector<256xf32> to vector<256x1xf32>
    %eq3A_189 = vector.broadcast %broadcast_in_dim3A_188 : vector<256x1xf32> to vector<256x2304xf32>
    %eq3A_190 = arith.cmpf oeq, %select_n3A_185, %eq3A_189 : vector<256x2304xf32>
    %jit3A_191 = arith.constant 2147483647 : i32
    %broadcast_in_dim3A_192 = vector.broadcast %jit3A_191 : i32 to vector<256x2304xi32>
    %select_n3A_193 = arith.select %eq3A_190, %concatenate3A, %broadcast_in_dim3A_192 : vector<256x2304xi1>, vector<256x2304xi32>
    %reduce_min3A_194 = arith.constant dense<2147483647> : vector<256xi32>
    %reduce_min3A_195 = vector.multi_reduction <minsi>, %select_n3A_193, %reduce_min3A_194 [1] : vector<256x2304xi32> to vector<256xi32>
    %broadcast_in_dim3A_196 = vector.shape_cast %reduce_min3A_195 : vector<256xi32> to vector<256x1xi32>
    %eq3A_197 = vector.broadcast %broadcast_in_dim3A_196 : vector<256x1xi32> to vector<256x2304xi32>
    %eq3A_198 = arith.cmpi eq, %concatenate3A, %eq3A_197 : vector<256x2304xi32>
    %jit3A_199 = arith.constant 0xFF800000 : f32
    %broadcast_in_dim3A_200 = vector.broadcast %jit3A_199 : f32 to vector<256x2304xf32>
    %select_n3A_201 = arith.select %eq3A_198, %broadcast_in_dim3A_200, %select_n3A_185 : vector<256x2304xi1>, vector<256x2304xf32>
    %reduce_max3A_202 = arith.constant dense<0xFF800000> : vector<256xf32>
    %reduce_max3A_203 = vector.multi_reduction <maximumf>, %select_n3A_201, %reduce_max3A_202 [1] : vector<256x2304xf32> to vector<256xf32>
    %broadcast_in_dim3A_204 = vector.shape_cast %reduce_max3A_203 : vector<256xf32> to vector<256x1xf32>
    %eq3A_205 = vector.broadcast %broadcast_in_dim3A_204 : vector<256x1xf32> to vector<256x2304xf32>
    %eq3A_206 = arith.cmpf oeq, %select_n3A_201, %eq3A_205 : vector<256x2304xf32>
    %jit3A_207 = arith.constant 2147483647 : i32
    %broadcast_in_dim3A_208 = vector.broadcast %jit3A_207 : i32 to vector<256x2304xi32>
    %select_n3A_209 = arith.select %eq3A_206, %concatenate3A, %broadcast_in_dim3A_208 : vector<256x2304xi1>, vector<256x2304xi32>
    %reduce_min3A_210 = arith.constant dense<2147483647> : vector<256xi32>
    %reduce_min3A_211 = vector.multi_reduction <minsi>, %select_n3A_209, %reduce_min3A_210 [1] : vector<256x2304xi32> to vector<256xi32>
    %broadcast_in_dim3A_212 = vector.shape_cast %reduce_min3A_211 : vector<256xi32> to vector<256x1xi32>
    %eq3A_213 = vector.broadcast %broadcast_in_dim3A_212 : vector<256x1xi32> to vector<256x2304xi32>
    %eq3A_214 = arith.cmpi eq, %concatenate3A, %eq3A_213 : vector<256x2304xi32>
    %jit3A_215 = arith.constant 0xFF800000 : f32
    %broadcast_in_dim3A_216 = vector.broadcast %jit3A_215 : f32 to vector<256x2304xf32>
    %select_n3A_217 = arith.select %eq3A_214, %broadcast_in_dim3A_216, %select_n3A_201 : vector<256x2304xi1>, vector<256x2304xf32>
    %reduce_max3A_218 = arith.constant dense<0xFF800000> : vector<256xf32>
    %reduce_max3A_219 = vector.multi_reduction <maximumf>, %select_n3A_217, %reduce_max3A_218 [1] : vector<256x2304xf32> to vector<256xf32>
    %broadcast_in_dim3A_220 = vector.shape_cast %reduce_max3A_219 : vector<256xf32> to vector<256x1xf32>
    %eq3A_221 = vector.broadcast %broadcast_in_dim3A_220 : vector<256x1xf32> to vector<256x2304xf32>
    %eq3A_222 = arith.cmpf oeq, %select_n3A_217, %eq3A_221 : vector<256x2304xf32>
    %jit3A_223 = arith.constant 2147483647 : i32
    %broadcast_in_dim3A_224 = vector.broadcast %jit3A_223 : i32 to vector<256x2304xi32>
    %select_n3A_225 = arith.select %eq3A_222, %concatenate3A, %broadcast_in_dim3A_224 : vector<256x2304xi1>, vector<256x2304xi32>
    %reduce_min3A_226 = arith.constant dense<2147483647> : vector<256xi32>
    %reduce_min3A_227 = vector.multi_reduction <minsi>, %select_n3A_225, %reduce_min3A_226 [1] : vector<256x2304xi32> to vector<256xi32>
    %broadcast_in_dim3A_228 = vector.shape_cast %reduce_min3A_227 : vector<256xi32> to vector<256x1xi32>
    %eq3A_229 = vector.broadcast %broadcast_in_dim3A_228 : vector<256x1xi32> to vector<256x2304xi32>
    %eq3A_230 = arith.cmpi eq, %concatenate3A, %eq3A_229 : vector<256x2304xi32>
    %jit3A_231 = arith.constant 0xFF800000 : f32
    %broadcast_in_dim3A_232 = vector.broadcast %jit3A_231 : f32 to vector<256x2304xf32>
    %select_n3A_233 = arith.select %eq3A_230, %broadcast_in_dim3A_232, %select_n3A_217 : vector<256x2304xi1>, vector<256x2304xf32>
    %reduce_max3A_234 = arith.constant dense<0xFF800000> : vector<256xf32>
    %reduce_max3A_235 = vector.multi_reduction <maximumf>, %select_n3A_233, %reduce_max3A_234 [1] : vector<256x2304xf32> to vector<256xf32>
    %broadcast_in_dim3A_236 = vector.shape_cast %reduce_max3A_235 : vector<256xf32> to vector<256x1xf32>
    %eq3A_237 = vector.broadcast %broadcast_in_dim3A_236 : vector<256x1xf32> to vector<256x2304xf32>
    %eq3A_238 = arith.cmpf oeq, %select_n3A_233, %eq3A_237 : vector<256x2304xf32>
    %jit3A_239 = arith.constant 2147483647 : i32
    %broadcast_in_dim3A_240 = vector.broadcast %jit3A_239 : i32 to vector<256x2304xi32>
    %select_n3A_241 = arith.select %eq3A_238, %concatenate3A, %broadcast_in_dim3A_240 : vector<256x2304xi1>, vector<256x2304xi32>
    %reduce_min3A_242 = arith.constant dense<2147483647> : vector<256xi32>
    %reduce_min3A_243 = vector.multi_reduction <minsi>, %select_n3A_241, %reduce_min3A_242 [1] : vector<256x2304xi32> to vector<256xi32>
    %broadcast_in_dim3A_244 = vector.shape_cast %reduce_min3A_243 : vector<256xi32> to vector<256x1xi32>
    %eq3A_245 = vector.broadcast %broadcast_in_dim3A_244 : vector<256x1xi32> to vector<256x2304xi32>
    %eq3A_246 = arith.cmpi eq, %concatenate3A, %eq3A_245 : vector<256x2304xi32>
    %jit3A_247 = arith.constant 0xFF800000 : f32
    %broadcast_in_dim3A_248 = vector.broadcast %jit3A_247 : f32 to vector<256x2304xf32>
    %select_n3A_249 = arith.select %eq3A_246, %broadcast_in_dim3A_248, %select_n3A_233 : vector<256x2304xi1>, vector<256x2304xf32>
    %reduce_max3A_250 = arith.constant dense<0xFF800000> : vector<256xf32>
    %reduce_max3A_251 = vector.multi_reduction <maximumf>, %select_n3A_249, %reduce_max3A_250 [1] : vector<256x2304xf32> to vector<256xf32>
    %broadcast_in_dim3A_252 = vector.shape_cast %reduce_max3A_251 : vector<256xf32> to vector<256x1xf32>
    %eq3A_253 = vector.broadcast %broadcast_in_dim3A_252 : vector<256x1xf32> to vector<256x2304xf32>
    %eq3A_254 = arith.cmpf oeq, %select_n3A_249, %eq3A_253 : vector<256x2304xf32>
    %jit3A_255 = arith.constant 2147483647 : i32
    %broadcast_in_dim3A_256 = vector.broadcast %jit3A_255 : i32 to vector<256x2304xi32>
    %select_n3A_257 = arith.select %eq3A_254, %concatenate3A, %broadcast_in_dim3A_256 : vector<256x2304xi1>, vector<256x2304xi32>
    %reduce_min3A_258 = arith.constant dense<2147483647> : vector<256xi32>
    %reduce_min3A_259 = vector.multi_reduction <minsi>, %select_n3A_257, %reduce_min3A_258 [1] : vector<256x2304xi32> to vector<256xi32>
    %broadcast_in_dim3A_260 = vector.shape_cast %reduce_min3A_259 : vector<256xi32> to vector<256x1xi32>
    %eq3A_261 = vector.broadcast %broadcast_in_dim3A_260 : vector<256x1xi32> to vector<256x2304xi32>
    %eq3A_262 = arith.cmpi eq, %concatenate3A, %eq3A_261 : vector<256x2304xi32>
    %jit3A_263 = arith.constant 0xFF800000 : f32
    %broadcast_in_dim3A_264 = vector.broadcast %jit3A_263 : f32 to vector<256x2304xf32>
    %select_n3A_265 = arith.select %eq3A_262, %broadcast_in_dim3A_264, %select_n3A_249 : vector<256x2304xi1>, vector<256x2304xf32>
    %reduce_max3A_266 = arith.constant dense<0xFF800000> : vector<256xf32>
    %reduce_max3A_267 = vector.multi_reduction <maximumf>, %select_n3A_265, %reduce_max3A_266 [1] : vector<256x2304xf32> to vector<256xf32>
    %broadcast_in_dim3A_268 = vector.shape_cast %reduce_max3A_267 : vector<256xf32> to vector<256x1xf32>
    %eq3A_269 = vector.broadcast %broadcast_in_dim3A_268 : vector<256x1xf32> to vector<256x2304xf32>
    %eq3A_270 = arith.cmpf oeq, %select_n3A_265, %eq3A_269 : vector<256x2304xf32>
    %jit3A_271 = arith.constant 2147483647 : i32
    %broadcast_in_dim3A_272 = vector.broadcast %jit3A_271 : i32 to vector<256x2304xi32>
    %select_n3A_273 = arith.select %eq3A_270, %concatenate3A, %broadcast_in_dim3A_272 : vector<256x2304xi1>, vector<256x2304xi32>
    %reduce_min3A_274 = arith.constant dense<2147483647> : vector<256xi32>
    %reduce_min3A_275 = vector.multi_reduction <minsi>, %select_n3A_273, %reduce_min3A_274 [1] : vector<256x2304xi32> to vector<256xi32>
    %broadcast_in_dim3A_276 = vector.shape_cast %reduce_min3A_275 : vector<256xi32> to vector<256x1xi32>
    %eq3A_277 = vector.broadcast %broadcast_in_dim3A_276 : vector<256x1xi32> to vector<256x2304xi32>
    %eq3A_278 = arith.cmpi eq, %concatenate3A, %eq3A_277 : vector<256x2304xi32>
    %jit3A_279 = arith.constant 0xFF800000 : f32
    %broadcast_in_dim3A_280 = vector.broadcast %jit3A_279 : f32 to vector<256x2304xf32>
    %select_n3A_281 = arith.select %eq3A_278, %broadcast_in_dim3A_280, %select_n3A_265 : vector<256x2304xi1>, vector<256x2304xf32>
    %reduce_max3A_282 = arith.constant dense<0xFF800000> : vector<256xf32>
    %reduce_max3A_283 = vector.multi_reduction <maximumf>, %select_n3A_281, %reduce_max3A_282 [1] : vector<256x2304xf32> to vector<256xf32>
    %broadcast_in_dim3A_284 = vector.shape_cast %reduce_max3A_283 : vector<256xf32> to vector<256x1xf32>
    %eq3A_285 = vector.broadcast %broadcast_in_dim3A_284 : vector<256x1xf32> to vector<256x2304xf32>
    %eq3A_286 = arith.cmpf oeq, %select_n3A_281, %eq3A_285 : vector<256x2304xf32>
    %jit3A_287 = arith.constant 2147483647 : i32
    %broadcast_in_dim3A_288 = vector.broadcast %jit3A_287 : i32 to vector<256x2304xi32>
    %select_n3A_289 = arith.select %eq3A_286, %concatenate3A, %broadcast_in_dim3A_288 : vector<256x2304xi1>, vector<256x2304xi32>
    %reduce_min3A_290 = arith.constant dense<2147483647> : vector<256xi32>
    %reduce_min3A_291 = vector.multi_reduction <minsi>, %select_n3A_289, %reduce_min3A_290 [1] : vector<256x2304xi32> to vector<256xi32>
    %broadcast_in_dim3A_292 = vector.shape_cast %reduce_min3A_291 : vector<256xi32> to vector<256x1xi32>
    %eq3A_293 = vector.broadcast %broadcast_in_dim3A_292 : vector<256x1xi32> to vector<256x2304xi32>
    %eq3A_294 = arith.cmpi eq, %concatenate3A, %eq3A_293 : vector<256x2304xi32>
    %jit3A_295 = arith.constant 0xFF800000 : f32
    %broadcast_in_dim3A_296 = vector.broadcast %jit3A_295 : f32 to vector<256x2304xf32>
    %select_n3A_297 = arith.select %eq3A_294, %broadcast_in_dim3A_296, %select_n3A_281 : vector<256x2304xi1>, vector<256x2304xf32>
    %reduce_max3A_298 = arith.constant dense<0xFF800000> : vector<256xf32>
    %reduce_max3A_299 = vector.multi_reduction <maximumf>, %select_n3A_297, %reduce_max3A_298 [1] : vector<256x2304xf32> to vector<256xf32>
    %broadcast_in_dim3A_300 = vector.shape_cast %reduce_max3A_299 : vector<256xf32> to vector<256x1xf32>
    %eq3A_301 = vector.broadcast %broadcast_in_dim3A_300 : vector<256x1xf32> to vector<256x2304xf32>
    %eq3A_302 = arith.cmpf oeq, %select_n3A_297, %eq3A_301 : vector<256x2304xf32>
    %jit3A_303 = arith.constant 2147483647 : i32
    %broadcast_in_dim3A_304 = vector.broadcast %jit3A_303 : i32 to vector<256x2304xi32>
    %select_n3A_305 = arith.select %eq3A_302, %concatenate3A, %broadcast_in_dim3A_304 : vector<256x2304xi1>, vector<256x2304xi32>
    %reduce_min3A_306 = arith.constant dense<2147483647> : vector<256xi32>
    %reduce_min3A_307 = vector.multi_reduction <minsi>, %select_n3A_305, %reduce_min3A_306 [1] : vector<256x2304xi32> to vector<256xi32>
    %broadcast_in_dim3A_308 = vector.shape_cast %reduce_min3A_307 : vector<256xi32> to vector<256x1xi32>
    %eq3A_309 = vector.broadcast %broadcast_in_dim3A_308 : vector<256x1xi32> to vector<256x2304xi32>
    %eq3A_310 = arith.cmpi eq, %concatenate3A, %eq3A_309 : vector<256x2304xi32>
    %jit3A_311 = arith.constant 0xFF800000 : f32
    %broadcast_in_dim3A_312 = vector.broadcast %jit3A_311 : f32 to vector<256x2304xf32>
    %select_n3A_313 = arith.select %eq3A_310, %broadcast_in_dim3A_312, %select_n3A_297 : vector<256x2304xi1>, vector<256x2304xf32>
    %reduce_max3A_314 = arith.constant dense<0xFF800000> : vector<256xf32>
    %reduce_max3A_315 = vector.multi_reduction <maximumf>, %select_n3A_313, %reduce_max3A_314 [1] : vector<256x2304xf32> to vector<256xf32>
    %broadcast_in_dim3A_316 = vector.shape_cast %reduce_max3A_315 : vector<256xf32> to vector<256x1xf32>
    %eq3A_317 = vector.broadcast %broadcast_in_dim3A_316 : vector<256x1xf32> to vector<256x2304xf32>
    %eq3A_318 = arith.cmpf oeq, %select_n3A_313, %eq3A_317 : vector<256x2304xf32>
    %jit3A_319 = arith.constant 2147483647 : i32
    %broadcast_in_dim3A_320 = vector.broadcast %jit3A_319 : i32 to vector<256x2304xi32>
    %select_n3A_321 = arith.select %eq3A_318, %concatenate3A, %broadcast_in_dim3A_320 : vector<256x2304xi1>, vector<256x2304xi32>
    %reduce_min3A_322 = arith.constant dense<2147483647> : vector<256xi32>
    %reduce_min3A_323 = vector.multi_reduction <minsi>, %select_n3A_321, %reduce_min3A_322 [1] : vector<256x2304xi32> to vector<256xi32>
    %broadcast_in_dim3A_324 = vector.shape_cast %reduce_min3A_323 : vector<256xi32> to vector<256x1xi32>
    %eq3A_325 = vector.broadcast %broadcast_in_dim3A_324 : vector<256x1xi32> to vector<256x2304xi32>
    %eq3A_326 = arith.cmpi eq, %concatenate3A, %eq3A_325 : vector<256x2304xi32>
    %jit3A_327 = arith.constant 0xFF800000 : f32
    %broadcast_in_dim3A_328 = vector.broadcast %jit3A_327 : f32 to vector<256x2304xf32>
    %select_n3A_329 = arith.select %eq3A_326, %broadcast_in_dim3A_328, %select_n3A_313 : vector<256x2304xi1>, vector<256x2304xf32>
    %reduce_max3A_330 = arith.constant dense<0xFF800000> : vector<256xf32>
    %reduce_max3A_331 = vector.multi_reduction <maximumf>, %select_n3A_329, %reduce_max3A_330 [1] : vector<256x2304xf32> to vector<256xf32>
    %broadcast_in_dim3A_332 = vector.shape_cast %reduce_max3A_331 : vector<256xf32> to vector<256x1xf32>
    %eq3A_333 = vector.broadcast %broadcast_in_dim3A_332 : vector<256x1xf32> to vector<256x2304xf32>
    %eq3A_334 = arith.cmpf oeq, %select_n3A_329, %eq3A_333 : vector<256x2304xf32>
    %jit3A_335 = arith.constant 2147483647 : i32
    %broadcast_in_dim3A_336 = vector.broadcast %jit3A_335 : i32 to vector<256x2304xi32>
    %select_n3A_337 = arith.select %eq3A_334, %concatenate3A, %broadcast_in_dim3A_336 : vector<256x2304xi1>, vector<256x2304xi32>
    %reduce_min3A_338 = arith.constant dense<2147483647> : vector<256xi32>
    %reduce_min3A_339 = vector.multi_reduction <minsi>, %select_n3A_337, %reduce_min3A_338 [1] : vector<256x2304xi32> to vector<256xi32>
    %broadcast_in_dim3A_340 = vector.shape_cast %reduce_min3A_339 : vector<256xi32> to vector<256x1xi32>
    %eq3A_341 = vector.broadcast %broadcast_in_dim3A_340 : vector<256x1xi32> to vector<256x2304xi32>
    %eq3A_342 = arith.cmpi eq, %concatenate3A, %eq3A_341 : vector<256x2304xi32>
    %jit3A_343 = arith.constant 0xFF800000 : f32
    %broadcast_in_dim3A_344 = vector.broadcast %jit3A_343 : f32 to vector<256x2304xf32>
    %select_n3A_345 = arith.select %eq3A_342, %broadcast_in_dim3A_344, %select_n3A_329 : vector<256x2304xi1>, vector<256x2304xf32>
    %reduce_max3A_346 = arith.constant dense<0xFF800000> : vector<256xf32>
    %reduce_max3A_347 = vector.multi_reduction <maximumf>, %select_n3A_345, %reduce_max3A_346 [1] : vector<256x2304xf32> to vector<256xf32>
    %broadcast_in_dim3A_348 = vector.shape_cast %reduce_max3A_347 : vector<256xf32> to vector<256x1xf32>
    %eq3A_349 = vector.broadcast %broadcast_in_dim3A_348 : vector<256x1xf32> to vector<256x2304xf32>
    %eq3A_350 = arith.cmpf oeq, %select_n3A_345, %eq3A_349 : vector<256x2304xf32>
    %jit3A_351 = arith.constant 2147483647 : i32
    %broadcast_in_dim3A_352 = vector.broadcast %jit3A_351 : i32 to vector<256x2304xi32>
    %select_n3A_353 = arith.select %eq3A_350, %concatenate3A, %broadcast_in_dim3A_352 : vector<256x2304xi1>, vector<256x2304xi32>
    %reduce_min3A_354 = arith.constant dense<2147483647> : vector<256xi32>
    %reduce_min3A_355 = vector.multi_reduction <minsi>, %select_n3A_353, %reduce_min3A_354 [1] : vector<256x2304xi32> to vector<256xi32>
    %broadcast_in_dim3A_356 = vector.shape_cast %reduce_min3A_355 : vector<256xi32> to vector<256x1xi32>
    %eq3A_357 = vector.broadcast %broadcast_in_dim3A_356 : vector<256x1xi32> to vector<256x2304xi32>
    %eq3A_358 = arith.cmpi eq, %concatenate3A, %eq3A_357 : vector<256x2304xi32>
    %jit3A_359 = arith.constant 0xFF800000 : f32
    %broadcast_in_dim3A_360 = vector.broadcast %jit3A_359 : f32 to vector<256x2304xf32>
    %select_n3A_361 = arith.select %eq3A_358, %broadcast_in_dim3A_360, %select_n3A_345 : vector<256x2304xi1>, vector<256x2304xf32>
    %reduce_max3A_362 = arith.constant dense<0xFF800000> : vector<256xf32>
    %reduce_max3A_363 = vector.multi_reduction <maximumf>, %select_n3A_361, %reduce_max3A_362 [1] : vector<256x2304xf32> to vector<256xf32>
    %broadcast_in_dim3A_364 = vector.shape_cast %reduce_max3A_363 : vector<256xf32> to vector<256x1xf32>
    %eq3A_365 = vector.broadcast %broadcast_in_dim3A_364 : vector<256x1xf32> to vector<256x2304xf32>
    %eq3A_366 = arith.cmpf oeq, %select_n3A_361, %eq3A_365 : vector<256x2304xf32>
    %jit3A_367 = arith.constant 2147483647 : i32
    %broadcast_in_dim3A_368 = vector.broadcast %jit3A_367 : i32 to vector<256x2304xi32>
    %select_n3A_369 = arith.select %eq3A_366, %concatenate3A, %broadcast_in_dim3A_368 : vector<256x2304xi1>, vector<256x2304xi32>
    %reduce_min3A_370 = arith.constant dense<2147483647> : vector<256xi32>
    %reduce_min3A_371 = vector.multi_reduction <minsi>, %select_n3A_369, %reduce_min3A_370 [1] : vector<256x2304xi32> to vector<256xi32>
    %broadcast_in_dim3A_372 = vector.shape_cast %reduce_min3A_371 : vector<256xi32> to vector<256x1xi32>
    %eq3A_373 = vector.broadcast %broadcast_in_dim3A_372 : vector<256x1xi32> to vector<256x2304xi32>
    %eq3A_374 = arith.cmpi eq, %concatenate3A, %eq3A_373 : vector<256x2304xi32>
    %jit3A_375 = arith.constant 0xFF800000 : f32
    %broadcast_in_dim3A_376 = vector.broadcast %jit3A_375 : f32 to vector<256x2304xf32>
    %select_n3A_377 = arith.select %eq3A_374, %broadcast_in_dim3A_376, %select_n3A_361 : vector<256x2304xi1>, vector<256x2304xf32>
    %reduce_max3A_378 = arith.constant dense<0xFF800000> : vector<256xf32>
    %reduce_max3A_379 = vector.multi_reduction <maximumf>, %select_n3A_377, %reduce_max3A_378 [1] : vector<256x2304xf32> to vector<256xf32>
    %broadcast_in_dim3A_380 = vector.shape_cast %reduce_max3A_379 : vector<256xf32> to vector<256x1xf32>
    %eq3A_381 = vector.broadcast %broadcast_in_dim3A_380 : vector<256x1xf32> to vector<256x2304xf32>
    %eq3A_382 = arith.cmpf oeq, %select_n3A_377, %eq3A_381 : vector<256x2304xf32>
    %jit3A_383 = arith.constant 2147483647 : i32
    %broadcast_in_dim3A_384 = vector.broadcast %jit3A_383 : i32 to vector<256x2304xi32>
    %select_n3A_385 = arith.select %eq3A_382, %concatenate3A, %broadcast_in_dim3A_384 : vector<256x2304xi1>, vector<256x2304xi32>
    %reduce_min3A_386 = arith.constant dense<2147483647> : vector<256xi32>
    %reduce_min3A_387 = vector.multi_reduction <minsi>, %select_n3A_385, %reduce_min3A_386 [1] : vector<256x2304xi32> to vector<256xi32>
    %broadcast_in_dim3A_388 = vector.shape_cast %reduce_min3A_387 : vector<256xi32> to vector<256x1xi32>
    %concatenate3A_389 = tpu.concatenate %broadcast_in_dim3A, %broadcast_in_dim3A_156, %broadcast_in_dim3A_172, %broadcast_in_dim3A_188, %broadcast_in_dim3A_204, %broadcast_in_dim3A_220, %broadcast_in_dim3A_236, %broadcast_in_dim3A_252, %broadcast_in_dim3A_268, %broadcast_in_dim3A_284, %broadcast_in_dim3A_300, %broadcast_in_dim3A_316, %broadcast_in_dim3A_332, %broadcast_in_dim3A_348, %broadcast_in_dim3A_364, %broadcast_in_dim3A_380 in 1 : vector<256x1xf32>, vector<256x1xf32>, vector<256x1xf32>, vector<256x1xf32>, vector<256x1xf32>, vector<256x1xf32>, vector<256x1xf32>, vector<256x1xf32>, vector<256x1xf32>, vector<256x1xf32>, vector<256x1xf32>, vector<256x1xf32>, vector<256x1xf32>, vector<256x1xf32>, vector<256x1xf32>, vector<256x1xf32> -> vector<256x16xf32>
    %slice3A = vector.extract_strided_slice %concatenate3A_389 {offsets = [0, 0], sizes = [256, 1], strides = [1, 1]} : vector<256x16xf32> to vector<256x1xf32>
    %sub3A = vector.broadcast %slice3A : vector<256x1xf32> to vector<256x16xf32>
    %sub3A_390 = arith.subf %concatenate3A_389, %sub3A : vector<256x16xf32>
    %exp3A = math.exp %sub3A_390 : vector<256x16xf32>
    %reduce_sum3A = arith.constant dense<0.000000e+00> : vector<256xf32>
    %reduce_sum3A_391 = vector.multi_reduction <add>, %exp3A, %reduce_sum3A [1] : vector<256x16xf32> to vector<256xf32>
    %broadcast_in_dim3A_392 = vector.shape_cast %reduce_sum3A_391 : vector<256xf32> to vector<256x1xf32>
    %div3A = vector.broadcast %broadcast_in_dim3A_392 : vector<256x1xf32> to vector<256x16xf32>
    %div3A_393 = arith.divf %exp3A, %div3A : vector<256x16xf32>
    %swap3A = arith.constant 0 : index
    %swap3A_394 = arith.constant 0 : index
    %swap3A_395 = vector.load %arg3[%swap3A, %swap3A_394] : memref<256x16xf32, #tpu.memory_space<vmem>>, vector<256x16xf32>
    tpu.vector_store %arg3[%swap3A, %swap3A_394], %div3A_393 {strides = array<i32>} : memref<256x16xf32, #tpu.memory_space<vmem>>, vector<256x16xf32>,
    %concatenate3A_396 = tpu.concatenate %broadcast_in_dim3A_148, %broadcast_in_dim3A_164, %broadcast_in_dim3A_180, %broadcast_in_dim3A_196, %broadcast_in_dim3A_212, %broadcast_in_dim3A_228, %broadcast_in_dim3A_244, %broadcast_in_dim3A_260, %broadcast_in_dim3A_276, %broadcast_in_dim3A_292, %broadcast_in_dim3A_308, %broadcast_in_dim3A_324, %broadcast_in_dim3A_340, %broadcast_in_dim3A_356, %broadcast_in_dim3A_372, %broadcast_in_dim3A_388 in 1 : vector<256x1xi32>, vector<256x1xi32>, vector<256x1xi32>, vector<256x1xi32>, vector<256x1xi32>, vector<256x1xi32>, vector<256x1xi32>, vector<256x1xi32>, vector<256x1xi32>, vector<256x1xi32>, vector<256x1xi32>, vector<256x1xi32>, vector<256x1xi32>, vector<256x1xi32>, vector<256x1xi32>, vector<256x1xi32> -> vector<256x16xi32>
    %swap3A_397 = arith.constant 0 : index
    %swap3A_398 = arith.constant 0 : index
    %swap3A_399 = vector.load %arg4[%swap3A_397, %swap3A_398] : memref<256x16xi32, #tpu.memory_space<vmem>>, vector<256x16xi32>
    tpu.vector_store %arg4[%swap3A_397, %swap3A_398], %concatenate3A_396 {strides = array<i32>} : memref<256x16xi32, #tpu.memory_space<vmem>>, vector<256x16xi32>,
    return
  }
  func.func @transform_0(%arg0: i32) -> (i32, i32) {
    %c0_i32 = arith.constant 0 : i32
    %c0_i32_0 = arith.constant 0 : i32
    return %arg0, %c0_i32 : i32, i32
  }
  func.func @transform_1(%arg0: i32) -> (i32, i32) {
    %c0_i32 = arith.constant 0 : i32
    %c0_i32_0 = arith.constant 0 : i32
    return %arg0, %c0_i32 : i32, i32
  }
  func.func @transform_2(%arg0: i32) -> (i32, i32) {
    %c0_i32 = arith.constant 0 : i32
    %c0_i32_0 = arith.constant 0 : i32
    return %arg0, %c0_i32 : i32, i32
  }
  func.func @transform_3(%arg0: i32) -> (i32, i32) {
    %c0_i32 = arith.constant 0 : i32
    %c0_i32_0 = arith.constant 0 : i32
    return %arg0, %c0_i32 : i32, i32
  }
}

module attributes {stable_mosaic.version = 14 : i64} {
  func.func @_k6_body(%arg0: memref<16x1024x32xf32, #tpu.memory_space<vmem>>, %arg1: memref<1024x16xf32, #tpu.memory_space<vmem>>, %arg2: memref<1024x32xf32, #tpu.memory_space<vmem>>) attributes {dimension_semantics = [], scalar_prefetch = 0 : i64, scratch_operands = 0 : i64, tpu.core_type = #tpu.core_type<tc>} {
    %get3A = arith.constant 0 : index
    %get3A_0 = arith.constant 0 : index
    %get3A_1 = vector.load %arg1[%get3A, %get3A_0] : memref<1024x16xf32, #tpu.memory_space<vmem>>, vector<1024x1xf32>
    %get3A_2 = arith.constant 0 : index
    %get3A_3 = arith.constant 0 : index
    %get3A_4 = arith.constant 0 : index
    %get3A_5 = vector.load %arg0[%get3A_2, %get3A_3, %get3A_4] : memref<16x1024x32xf32, #tpu.memory_space<vmem>>, vector<1x1024x32xf32>
    %get3A_6 = vector.shape_cast %get3A_5 : vector<1x1024x32xf32> to vector<1024x32xf32>
    %mul3A = vector.broadcast %get3A_1 : vector<1024x1xf32> to vector<1024x32xf32>
    %mul3A_7 = arith.mulf %mul3A, %get3A_6 : vector<1024x32xf32>
    %get3A_8 = arith.constant 0 : index
    %get3A_9 = arith.constant 1 : index
    %get3A_10 = vector.load %arg1[%get3A_8, %get3A_9] : memref<1024x16xf32, #tpu.memory_space<vmem>>, vector<1024x1xf32>
    %get3A_11 = arith.constant 1 : index
    %get3A_12 = arith.constant 0 : index
    %get3A_13 = arith.constant 0 : index
    %get3A_14 = vector.load %arg0[%get3A_11, %get3A_12, %get3A_13] : memref<16x1024x32xf32, #tpu.memory_space<vmem>>, vector<1x1024x32xf32>
    %get3A_15 = vector.shape_cast %get3A_14 : vector<1x1024x32xf32> to vector<1024x32xf32>
    %mul3A_16 = vector.broadcast %get3A_10 : vector<1024x1xf32> to vector<1024x32xf32>
    %mul3A_17 = arith.mulf %mul3A_16, %get3A_15 : vector<1024x32xf32>
    %add3A = arith.addf %mul3A_7, %mul3A_17 : vector<1024x32xf32>
    %get3A_18 = arith.constant 0 : index
    %get3A_19 = arith.constant 2 : index
    %get3A_20 = vector.load %arg1[%get3A_18, %get3A_19] : memref<1024x16xf32, #tpu.memory_space<vmem>>, vector<1024x1xf32>
    %get3A_21 = arith.constant 2 : index
    %get3A_22 = arith.constant 0 : index
    %get3A_23 = arith.constant 0 : index
    %get3A_24 = vector.load %arg0[%get3A_21, %get3A_22, %get3A_23] : memref<16x1024x32xf32, #tpu.memory_space<vmem>>, vector<1x1024x32xf32>
    %get3A_25 = vector.shape_cast %get3A_24 : vector<1x1024x32xf32> to vector<1024x32xf32>
    %mul3A_26 = vector.broadcast %get3A_20 : vector<1024x1xf32> to vector<1024x32xf32>
    %mul3A_27 = arith.mulf %mul3A_26, %get3A_25 : vector<1024x32xf32>
    %add3A_28 = arith.addf %add3A, %mul3A_27 : vector<1024x32xf32>
    %get3A_29 = arith.constant 0 : index
    %get3A_30 = arith.constant 3 : index
    %get3A_31 = vector.load %arg1[%get3A_29, %get3A_30] : memref<1024x16xf32, #tpu.memory_space<vmem>>, vector<1024x1xf32>
    %get3A_32 = arith.constant 3 : index
    %get3A_33 = arith.constant 0 : index
    %get3A_34 = arith.constant 0 : index
    %get3A_35 = vector.load %arg0[%get3A_32, %get3A_33, %get3A_34] : memref<16x1024x32xf32, #tpu.memory_space<vmem>>, vector<1x1024x32xf32>
    %get3A_36 = vector.shape_cast %get3A_35 : vector<1x1024x32xf32> to vector<1024x32xf32>
    %mul3A_37 = vector.broadcast %get3A_31 : vector<1024x1xf32> to vector<1024x32xf32>
    %mul3A_38 = arith.mulf %mul3A_37, %get3A_36 : vector<1024x32xf32>
    %add3A_39 = arith.addf %add3A_28, %mul3A_38 : vector<1024x32xf32>
    %get3A_40 = arith.constant 0 : index
    %get3A_41 = arith.constant 4 : index
    %get3A_42 = vector.load %arg1[%get3A_40, %get3A_41] : memref<1024x16xf32, #tpu.memory_space<vmem>>, vector<1024x1xf32>
    %get3A_43 = arith.constant 4 : index
    %get3A_44 = arith.constant 0 : index
    %get3A_45 = arith.constant 0 : index
    %get3A_46 = vector.load %arg0[%get3A_43, %get3A_44, %get3A_45] : memref<16x1024x32xf32, #tpu.memory_space<vmem>>, vector<1x1024x32xf32>
    %get3A_47 = vector.shape_cast %get3A_46 : vector<1x1024x32xf32> to vector<1024x32xf32>
    %mul3A_48 = vector.broadcast %get3A_42 : vector<1024x1xf32> to vector<1024x32xf32>
    %mul3A_49 = arith.mulf %mul3A_48, %get3A_47 : vector<1024x32xf32>
    %add3A_50 = arith.addf %add3A_39, %mul3A_49 : vector<1024x32xf32>
    %get3A_51 = arith.constant 0 : index
    %get3A_52 = arith.constant 5 : index
    %get3A_53 = vector.load %arg1[%get3A_51, %get3A_52] : memref<1024x16xf32, #tpu.memory_space<vmem>>, vector<1024x1xf32>
    %get3A_54 = arith.constant 5 : index
    %get3A_55 = arith.constant 0 : index
    %get3A_56 = arith.constant 0 : index
    %get3A_57 = vector.load %arg0[%get3A_54, %get3A_55, %get3A_56] : memref<16x1024x32xf32, #tpu.memory_space<vmem>>, vector<1x1024x32xf32>
    %get3A_58 = vector.shape_cast %get3A_57 : vector<1x1024x32xf32> to vector<1024x32xf32>
    %mul3A_59 = vector.broadcast %get3A_53 : vector<1024x1xf32> to vector<1024x32xf32>
    %mul3A_60 = arith.mulf %mul3A_59, %get3A_58 : vector<1024x32xf32>
    %add3A_61 = arith.addf %add3A_50, %mul3A_60 : vector<1024x32xf32>
    %get3A_62 = arith.constant 0 : index
    %get3A_63 = arith.constant 6 : index
    %get3A_64 = vector.load %arg1[%get3A_62, %get3A_63] : memref<1024x16xf32, #tpu.memory_space<vmem>>, vector<1024x1xf32>
    %get3A_65 = arith.constant 6 : index
    %get3A_66 = arith.constant 0 : index
    %get3A_67 = arith.constant 0 : index
    %get3A_68 = vector.load %arg0[%get3A_65, %get3A_66, %get3A_67] : memref<16x1024x32xf32, #tpu.memory_space<vmem>>, vector<1x1024x32xf32>
    %get3A_69 = vector.shape_cast %get3A_68 : vector<1x1024x32xf32> to vector<1024x32xf32>
    %mul3A_70 = vector.broadcast %get3A_64 : vector<1024x1xf32> to vector<1024x32xf32>
    %mul3A_71 = arith.mulf %mul3A_70, %get3A_69 : vector<1024x32xf32>
    %add3A_72 = arith.addf %add3A_61, %mul3A_71 : vector<1024x32xf32>
    %get3A_73 = arith.constant 0 : index
    %get3A_74 = arith.constant 7 : index
    %get3A_75 = vector.load %arg1[%get3A_73, %get3A_74] : memref<1024x16xf32, #tpu.memory_space<vmem>>, vector<1024x1xf32>
    %get3A_76 = arith.constant 7 : index
    %get3A_77 = arith.constant 0 : index
    %get3A_78 = arith.constant 0 : index
    %get3A_79 = vector.load %arg0[%get3A_76, %get3A_77, %get3A_78] : memref<16x1024x32xf32, #tpu.memory_space<vmem>>, vector<1x1024x32xf32>
    %get3A_80 = vector.shape_cast %get3A_79 : vector<1x1024x32xf32> to vector<1024x32xf32>
    %mul3A_81 = vector.broadcast %get3A_75 : vector<1024x1xf32> to vector<1024x32xf32>
    %mul3A_82 = arith.mulf %mul3A_81, %get3A_80 : vector<1024x32xf32>
    %add3A_83 = arith.addf %add3A_72, %mul3A_82 : vector<1024x32xf32>
    %get3A_84 = arith.constant 0 : index
    %get3A_85 = arith.constant 8 : index
    %get3A_86 = vector.load %arg1[%get3A_84, %get3A_85] : memref<1024x16xf32, #tpu.memory_space<vmem>>, vector<1024x1xf32>
    %get3A_87 = arith.constant 8 : index
    %get3A_88 = arith.constant 0 : index
    %get3A_89 = arith.constant 0 : index
    %get3A_90 = vector.load %arg0[%get3A_87, %get3A_88, %get3A_89] : memref<16x1024x32xf32, #tpu.memory_space<vmem>>, vector<1x1024x32xf32>
    %get3A_91 = vector.shape_cast %get3A_90 : vector<1x1024x32xf32> to vector<1024x32xf32>
    %mul3A_92 = vector.broadcast %get3A_86 : vector<1024x1xf32> to vector<1024x32xf32>
    %mul3A_93 = arith.mulf %mul3A_92, %get3A_91 : vector<1024x32xf32>
    %add3A_94 = arith.addf %add3A_83, %mul3A_93 : vector<1024x32xf32>
    %get3A_95 = arith.constant 0 : index
    %get3A_96 = arith.constant 9 : index
    %get3A_97 = vector.load %arg1[%get3A_95, %get3A_96] : memref<1024x16xf32, #tpu.memory_space<vmem>>, vector<1024x1xf32>
    %get3A_98 = arith.constant 9 : index
    %get3A_99 = arith.constant 0 : index
    %get3A_100 = arith.constant 0 : index
    %get3A_101 = vector.load %arg0[%get3A_98, %get3A_99, %get3A_100] : memref<16x1024x32xf32, #tpu.memory_space<vmem>>, vector<1x1024x32xf32>
    %get3A_102 = vector.shape_cast %get3A_101 : vector<1x1024x32xf32> to vector<1024x32xf32>
    %mul3A_103 = vector.broadcast %get3A_97 : vector<1024x1xf32> to vector<1024x32xf32>
    %mul3A_104 = arith.mulf %mul3A_103, %get3A_102 : vector<1024x32xf32>
    %add3A_105 = arith.addf %add3A_94, %mul3A_104 : vector<1024x32xf32>
    %get3A_106 = arith.constant 0 : index
    %get3A_107 = arith.constant 10 : index
    %get3A_108 = vector.load %arg1[%get3A_106, %get3A_107] : memref<1024x16xf32, #tpu.memory_space<vmem>>, vector<1024x1xf32>
    %get3A_109 = arith.constant 10 : index
    %get3A_110 = arith.constant 0 : index
    %get3A_111 = arith.constant 0 : index
    %get3A_112 = vector.load %arg0[%get3A_109, %get3A_110, %get3A_111] : memref<16x1024x32xf32, #tpu.memory_space<vmem>>, vector<1x1024x32xf32>
    %get3A_113 = vector.shape_cast %get3A_112 : vector<1x1024x32xf32> to vector<1024x32xf32>
    %mul3A_114 = vector.broadcast %get3A_108 : vector<1024x1xf32> to vector<1024x32xf32>
    %mul3A_115 = arith.mulf %mul3A_114, %get3A_113 : vector<1024x32xf32>
    %add3A_116 = arith.addf %add3A_105, %mul3A_115 : vector<1024x32xf32>
    %get3A_117 = arith.constant 0 : index
    %get3A_118 = arith.constant 11 : index
    %get3A_119 = vector.load %arg1[%get3A_117, %get3A_118] : memref<1024x16xf32, #tpu.memory_space<vmem>>, vector<1024x1xf32>
    %get3A_120 = arith.constant 11 : index
    %get3A_121 = arith.constant 0 : index
    %get3A_122 = arith.constant 0 : index
    %get3A_123 = vector.load %arg0[%get3A_120, %get3A_121, %get3A_122] : memref<16x1024x32xf32, #tpu.memory_space<vmem>>, vector<1x1024x32xf32>
    %get3A_124 = vector.shape_cast %get3A_123 : vector<1x1024x32xf32> to vector<1024x32xf32>
    %mul3A_125 = vector.broadcast %get3A_119 : vector<1024x1xf32> to vector<1024x32xf32>
    %mul3A_126 = arith.mulf %mul3A_125, %get3A_124 : vector<1024x32xf32>
    %add3A_127 = arith.addf %add3A_116, %mul3A_126 : vector<1024x32xf32>
    %get3A_128 = arith.constant 0 : index
    %get3A_129 = arith.constant 12 : index
    %get3A_130 = vector.load %arg1[%get3A_128, %get3A_129] : memref<1024x16xf32, #tpu.memory_space<vmem>>, vector<1024x1xf32>
    %get3A_131 = arith.constant 12 : index
    %get3A_132 = arith.constant 0 : index
    %get3A_133 = arith.constant 0 : index
    %get3A_134 = vector.load %arg0[%get3A_131, %get3A_132, %get3A_133] : memref<16x1024x32xf32, #tpu.memory_space<vmem>>, vector<1x1024x32xf32>
    %get3A_135 = vector.shape_cast %get3A_134 : vector<1x1024x32xf32> to vector<1024x32xf32>
    %mul3A_136 = vector.broadcast %get3A_130 : vector<1024x1xf32> to vector<1024x32xf32>
    %mul3A_137 = arith.mulf %mul3A_136, %get3A_135 : vector<1024x32xf32>
    %add3A_138 = arith.addf %add3A_127, %mul3A_137 : vector<1024x32xf32>
    %get3A_139 = arith.constant 0 : index
    %get3A_140 = arith.constant 13 : index
    %get3A_141 = vector.load %arg1[%get3A_139, %get3A_140] : memref<1024x16xf32, #tpu.memory_space<vmem>>, vector<1024x1xf32>
    %get3A_142 = arith.constant 13 : index
    %get3A_143 = arith.constant 0 : index
    %get3A_144 = arith.constant 0 : index
    %get3A_145 = vector.load %arg0[%get3A_142, %get3A_143, %get3A_144] : memref<16x1024x32xf32, #tpu.memory_space<vmem>>, vector<1x1024x32xf32>
    %get3A_146 = vector.shape_cast %get3A_145 : vector<1x1024x32xf32> to vector<1024x32xf32>
    %mul3A_147 = vector.broadcast %get3A_141 : vector<1024x1xf32> to vector<1024x32xf32>
    %mul3A_148 = arith.mulf %mul3A_147, %get3A_146 : vector<1024x32xf32>
    %add3A_149 = arith.addf %add3A_138, %mul3A_148 : vector<1024x32xf32>
    %get3A_150 = arith.constant 0 : index
    %get3A_151 = arith.constant 14 : index
    %get3A_152 = vector.load %arg1[%get3A_150, %get3A_151] : memref<1024x16xf32, #tpu.memory_space<vmem>>, vector<1024x1xf32>
    %get3A_153 = arith.constant 14 : index
    %get3A_154 = arith.constant 0 : index
    %get3A_155 = arith.constant 0 : index
    %get3A_156 = vector.load %arg0[%get3A_153, %get3A_154, %get3A_155] : memref<16x1024x32xf32, #tpu.memory_space<vmem>>, vector<1x1024x32xf32>
    %get3A_157 = vector.shape_cast %get3A_156 : vector<1x1024x32xf32> to vector<1024x32xf32>
    %mul3A_158 = vector.broadcast %get3A_152 : vector<1024x1xf32> to vector<1024x32xf32>
    %mul3A_159 = arith.mulf %mul3A_158, %get3A_157 : vector<1024x32xf32>
    %add3A_160 = arith.addf %add3A_149, %mul3A_159 : vector<1024x32xf32>
    %get3A_161 = arith.constant 0 : index
    %get3A_162 = arith.constant 15 : index
    %get3A_163 = vector.load %arg1[%get3A_161, %get3A_162] : memref<1024x16xf32, #tpu.memory_space<vmem>>, vector<1024x1xf32>
    %get3A_164 = arith.constant 15 : index
    %get3A_165 = arith.constant 0 : index
    %get3A_166 = arith.constant 0 : index
    %get3A_167 = vector.load %arg0[%get3A_164, %get3A_165, %get3A_166] : memref<16x1024x32xf32, #tpu.memory_space<vmem>>, vector<1x1024x32xf32>
    %get3A_168 = vector.shape_cast %get3A_167 : vector<1x1024x32xf32> to vector<1024x32xf32>
    %mul3A_169 = vector.broadcast %get3A_163 : vector<1024x1xf32> to vector<1024x32xf32>
    %mul3A_170 = arith.mulf %mul3A_169, %get3A_168 : vector<1024x32xf32>
    %add3A_171 = arith.addf %add3A_160, %mul3A_170 : vector<1024x32xf32>
    %swap3A = arith.constant 0 : index
    %swap3A_172 = arith.constant 0 : index
    %swap3A_173 = vector.load %arg2[%swap3A, %swap3A_172] : memref<1024x32xf32, #tpu.memory_space<vmem>>, vector<1024x32xf32>
    tpu.vector_store %arg2[%swap3A, %swap3A_172], %add3A_171 {strides = array<i32>} : memref<1024x32xf32, #tpu.memory_space<vmem>>, vector<1024x32xf32>,
    return
  }
}

</mosaic_0001>

<sc_bundles>
// kernel: kernel.11.cloned.1.call-start
scs
__scs_entry_jumppad:
0x0: {  	(pc) =	sbr.rel $0x88, $3  }
0x1: {  	(tag) =	ssettag $0x0;
	lr =	simm.s32 $0x1  }
0x2: {  	[smem:$0x3F9F] =	sst lr;
	_ =	strace $0xD0000000  }
0x3: {  	_ = 	snop  }
0x4: {  	_ = 	snop  }
0x5: {  	_ = 	snop  }
0x6: {  	_ = 	snop  }
0x7: {  	_ = 	snop  }
__scs_overlays_trampoline_lowered:
0x8: {  	[smem:$0x3FAE] =	sst s0  }
0x9: {  	[smem:$0x3FAF] =	sst s1  }
0xa: {  	[smem:$0x3FB0] =	sst s2  }
0xb: {  	[smem:$0x3FB1] =	sst s3  }
0xc: {  	[smem:$0x3FB2] =	sst s4  }
0xd: {  	[smem:$0x3FB3] =	sst s5  }
0xe: {  	[smem:$0x3FB4] =	sst s6  }
0xf: {  	[smem:$0x3FB5] =	sst s7  }
0x10: {  	[smem:$0x3FB6] =	sst s8  }
0x11: {  	[smem:$0x3FB7] =	sst s9;
	s0 =	simm.s32 @!p0 $0x0  }
0x12: {  	s1 =	sld [smem:$0x3F9D];
	s0 =	simm.s32 @p0 $0x1  }
0x13: {  	[smem:$0x3FB8] =	sst s0;
	s0 =	simm.s32 @!p1 $0x0  }
0x14: {  	s2 =	sld [smem:$0x3F9C];
	s0 =	simm.s32 @p1 $0x1  }
0x15: {  	[smem:$0x3FB9] =	sst s0;
	s0 =	simm.s32 @!p2 $0x0  }
0x16: {  	s3 =	sld [smem:$0x3FDB];
	s0 =	simm.s32 @p2 $0x1  }
0x17: {  	s4 =	simm.s32 $0x1BF5;
	[smem:$0x3FBB] =	sst s0  }
0x18: {  	s0 =	sld [smem:$0x3F9E];
	_ =	swait.ge [sflag:s4], $0x0  }
0x19: {  	s7 =	sld [smem:$0x3F9F]  }
0x1a: {  	s8 =	sadd.s32 $0xFFFFE003, lr  }
0x1b: {  	s9 =	sadd.s32 $0xFFFFFEF7, lr;
	s5 =	simm.s32 $0xFFFFFFFF;
	p2 =	slt.u32 s8, $0xFFFFF086  }
0x1c: {  	p1 =	slt.u32 s9, $0xF7A;
	s5 =	simm.s32 @!p2 $0x0  }
0x1d: {  	s5 =	simm.s32 @p1 $0x1;
	p0 =	seq.s32 s7, s2  }
0x1e: {  	s7 =	smul.u32 @!p0 $0xF7A, s2;
	p2 =	seq.s32 @!p0 s5, $0x0  }
0x1f: {  	s9 =	smul.u32 $0xF7A, s1;
	s8 =	simm.s32 @!p0 $0x1BF5;
	p2 =	por !p2, p0  }
0x20: {  	[sflag:s8] =	ssyncset.s32 @!p0 $0xFFFFF086;
	s6 =	sadd.s32 @!p0 s3, s7;
	s7 =	simm.s32 @!p0 $0x108  }
0x21: {  	s3 =	sadd.s32 s3, s9;
	s6 =	sadd.s32 @!p0 $0x88, s6;
	s7 =	simm.s32 @p2 $0x1082  }
0x22: {  	[simem:s7], [sflag:s8] =	dma.local @!p0 [hbm:s6], $0xF7A  }
0x23: {  	s9 =	sor.u32 $0xD0000000, s2;
	s6 =	simm.s32 $0x108;
	_ =	swait.ge @!p0 [sflag:s8], $0x0  }
0x24: {  	s3 =	sadd.s32 $0x88, s3;
	s6 =	simm.s32 @!p1 $0x1082;
	[sflag:s4] =	ssyncset.s32 $0xFFFFF086  }
0x25: {  	[simem:s6], [sflag:s4] =	dma.local [hbm:s3], $0xF7A  }
0x26: {  	[smem:$0x3F9F] =	sst s1;
	(tag) =	ssettag s2;
	_ =	strace s9  }
0x27: {  	s1 =	sld [smem:$0x3FAF]  }
0x28: {  	s2 =	sld [smem:$0x3FB0]  }
0x29: {  	s4 =	sld [smem:$0x3FB2]  }
0x2a: {  	p0 =	seq.s32 s5, $0x0;
	s5 =	sld [smem:$0x3FB3]  }
0x2b: {  	s6 =	sld [smem:$0x3FB4]  }
0x2c: {  	s7 =	sld [smem:$0x3FB5]  }
0x2d: {  	s3 =	simm.s32 $0x108;
	s8 =	sld [smem:$0x3FB6]  }
0x2e: {  	s3 =	simm.s32 @!p0 $0x1082;
	s9 =	sld [smem:$0x3FB7]  }
0x2f: {  	lr =	sadd.s32 s0, s3;
	s0 =	sld [smem:$0x3FAE]  }
0x30: {  	s3 =	sld [smem:$0x3FB1]  }
0x31: {  	[smem:$0x3FBA] =	sst s10  }
0x32: {  	s10 =	sld [smem:$0x3FB8];
	_ =	sdelay $0x3  }
0x33: {  	p0 =	seq.s32 s10, $0x1;
	s10 =	sld [smem:$0x3FBA];
	_ =	sdelay $0x3  }
0x34: {  	[smem:$0x3FBA] =	sst s10  }
0x35: {  	s10 =	sld [smem:$0x3FB9];
	_ =	sdelay $0x3  }
0x36: {  	p1 =	seq.s32 s10, $0x1;
	s10 =	sld [smem:$0x3FBA];
	_ =	sdelay $0x3  }
0x37: {  	[smem:$0x3FBA] =	sst s10  }
0x38: {  	s10 =	sld [smem:$0x3FBB]  }
0x39: {  	_ = 	snop;
	(pc) =	sbr.ind lr, $3  }
0x3a: {  	_ = 	snop  }
0x3b: {  	_ = 	snop  }
0x3c: {  	p2 =	seq.s32 s10, $0x1;
	s10 =	sld [smem:$0x3FBA]  }
0x3d: {  	_ =	shalt  }
0x3e: {  	_ =	shalt  }
0x3f: {  	_ =	shalt  }
0x40: {  	_ =	shalt  }
0x41: {  	_ =	shalt  }
0x42: {  	_ =	shalt  }
0x43: {  	_ =	shalt  }
0x44: {  	_ =	shalt  }
0x45: {  	_ =	shalt  }
0x46: {  	_ =	shalt  }
0x47: {  	_ =	shalt  }
0x48: {  	_ =	shalt  }
0x49: {  	_ =	shalt  }
0x4a: {  	_ =	shalt  }
0x4b: {  	_ =	shalt  }
0x4c: {  	_ =	shalt  }
0x4d: {  	_ =	shalt  }
0x4e: {  	_ =	shalt  }
0x4f: {  	_ =	shalt  }
0x50: {  	_ =	shalt  }
0x51: {  	_ =	shalt  }
0x52: {  	_ =	shalt  }
0x53: {  	_ =	shalt  }
0x54: {  	_ =	shalt  }
0x55: {  	_ =	shalt  }
0x56: {  	_ =	shalt  }
0x57: {  	_ =	shalt  }
0x58: {  	_ =	shalt  }
0x59: {  	_ =	shalt  }
0x5a: {  	_ =	shalt  }
0x5b: {  	_ =	shalt  }
0x5c: {  	_ =	shalt  }
0x5d: {  	_ =	shalt  }
0x5e: {  	_ =	shalt  }
0x5f: {  	_ =	shalt  }
0x60: {  	_ =	shalt  }
0x61: {  	_ =	shalt  }
0x62: {  	_ =	shalt  }
0x63: {  	_ =	shalt  }
0x64: {  	_ =	shalt  }
0x65: {  	_ =	shalt  }
0x66: {  	_ =	shalt  }
0x67: {  	_ =	shalt  }
0x68: {  	_ =	shalt  }
0x69: {  	_ =	shalt  }
0x6a: {  	_ =	shalt  }
0x6b: {  	_ =	shalt  }
0x6c: {  	_ =	shalt  }
0x6d: {  	_ =	shalt  }
0x6e: {  	_ =	shalt  }
0x6f: {  	_ =	shalt  }
0x70: {  	_ =	shalt  }
0x71: {  	_ =	shalt  }
0x72: {  	_ =	shalt  }
0x73: {  	_ =	shalt  }
0x74: {  	_ =	shalt  }
0x75: {  	_ =	shalt  }
0x76: {  	_ =	shalt  }
0x77: {  	_ =	shalt  }
0x78: {  	_ =	shalt  }
0x79: {  	_ =	shalt  }
0x7a: {  	_ =	shalt  }
0x7b: {  	_ =	shalt  }
0x7c: {  	_ =	shalt  }
0x7d: {  	_ =	shalt  }
0x7e: {  	_ =	shalt  }
0x7f: {  	_ =	shalt  }
0x80: {  	_ =	shalt  }
0x81: {  	_ =	shalt  }
0x82: {  	_ =	shalt  }
0x83: {  	_ =	shalt  }
0x84: {  	_ =	shalt  }
0x85: {  	_ =	shalt  }
0x86: {  	_ =	shalt  }
0x87: {  	_ =	shalt  }
.Lfunc_end0:
.L_simem_size_0:
called_computation.1_lowered:
.L_overlay_start_0:
0x88: {  	s2 =	sld [smem:$0x3FD9]  }
0x89: {  	s3 =	sld [smem:$0x3FFE];
	_ =	sdelay $0x1  }
0x8a: {  	s1 =	srdreg.scid  }
0x8b: {  	s0 =	sand.u32 $0x1, s1  }
0x8c: {  	s17 =	sshll.u32 s0, $0xA;
	s2 =	sadd.s32 s3, s2  }
0x8d: {  	s2 =	sadd.s32 s2, s17  }
0x8e: {  	[smem:$0x3FC6] =	sst s2  }
0x8f: {  	_ = 	snop  }
0x90: {  	s2 =	sld [smem:$0x3FD0];
	(tm) =	ssettm $0x1  }
0x91: {  	s18 =	sld [smem:$0x3FFB];
	_ =	sdelay $0x3  }
0x92: {  	_ =	strace s18  }
0x93: {  	s3 =	sld [smem:$0x3FFC];
	_ =	sdelay $0x3  }
0x94: {  	_ =	strace s3  }
0x95: {  	s3 =	sld [smem:$0x3FFD];
	_ =	sdelay $0x3  }
0x96: {  	_ =	strace s3  }
0x97: {  	_ =	strace $0x8FFFFFFF  }
0x98: {  	s19 =	sld [smem:$0x3FDB];
	_ =	sdelay $0x1  }
0x99: {  	s4 =	simm.s32 $_scs_section_size  }
0x9a: {  	s5 =	simm.s32 $_size__tile_overlayer_lowered;
	s6 =	simm.s32 $_tile_overlayer_lowered  }
0x9b: {  	s22 =	simm.s32 $0x1BFF;
	s21 =	sshll.u32 s6, $0x1;
	s3 =	sadd.s32 s4, s19  }
0x9c: {  	s7 =	simm.s32 $0x0;
	s20 =	sshll.u32 s5, $0x1;
	s5 =	sadd.s32 s21, s3  }
0x9d: {  	[timem:s7], [sflag:s22] =	dma.local [hbm:s5], s20  }
0x9e: {  	_ =	swait.ge [sflag:s22], s20  }
0x9f: {  	s4 =	ssub.s32 $0x0, s20;
	[sflag:s22] =	ssyncset.done $0x0  }
0xa0: {  	[sflag:s22] =	ssyncadd.s32 s4;
	_ =	sdelay $0x1  }
0xa1: {  	s23 =	simm.s32 $0x1B8B  }
0xa2: {  	_ =	swait.ge [sflag:s23], $0x1  }
0xa3: {  	[sflag:s23] =	ssyncset.done $0x0  }
0xa4: {  	s25 =	simm.s32 $0x1B8E;
	s24 =	sld [smem:$0x3FFE];
	[sflag:s23] =	ssyncadd.s32 $0xFFFFFFFF  }
0xa5: {  	s26 =	simm.s32 $execute0_lowered;
	[smem:$0x3FD2] =	sst s25  }
0xa6: {  	s5 =	sshll.u32 s26, $0x1;
	_ =	strace $0x80000049;
	[dreg:$0x1] =	wrdreg $0xFFFFFFFF  }
0xa7: {  	s28 =	simm.s32 $_size_execute0_lowered;
	s3 =	sadd.s32 s3, s5;
	[dreg:$0x0] =	wrdreg $0x0  }
0xa8: {  	s5 =	sshll.u32 s28, $0x1;
	[dreg:$0x2] =	wrdreg s3  }
0xa9: {  	[dreg:$0x3] =	wrdreg s5  }
0xaa: {  	[dreg:$0x4] =	wrdreg $0xC0  }
0xab: {  	_ =	task [dreg:s7], $0x5FFFF  }
0xac: {  	[dreg:$0x1] =	wrdreg $0xFFFFFFFF  }
0xad: {  	[dreg:$0x0] =	wrdreg $0x60  }
0xae: {  	[dreg:$0x2] =	wrdreg s24  }
0xaf: {  	[dreg:$0x3] =	wrdreg s2  }
0xb0: {  	[dreg:$0x4] =	wrdreg $0x9  }
0xb1: {  	_ =	task.clear_ibuf [dreg:s7], $0x5FFFF;
	_ =	strace $0x90000049  }
0xb2: {  	s29 =	simm.s32 $0x9;
	_ =	strace $0x8000004B  }
0xb3: {  	_ =	swait.ge [sflag:s29], $0x1  }
0xb4: {  	[sflag:s29] =	ssyncadd.s32 $0xFFFFFFFF  }
0xb5: {  	_ =	strace $0x9000004B  }
0xb6: {  	_ =	sfence  }
0xb7: {  	s30 =	sld [smem:$0x0];
	_ =	sdelay $0x2  }
0xb8: {  	s31 =	sshll.u32 s1, $0xD;
	s1 =	sshrl.u32 s1, $0x2  }
0xb9: {  	s3 =	sand.u32 $0x4000, s31;
	s1 =	sadd.s32 s1, s30  }
0xba: {  	s0 =	sor.u32 s3, s0;
	s1 =	sshll.u32 s1, $0x11  }
0xbb: {  	s0 =	sor.u32 s1, s0  }
0xbc: {  	s0 =	sadd.s32 $0x8F2B, s0  }
0xbd: {  	[sflag:s0] =	ssyncadd.remote.s32 $0x1  }
0xbe: {  	_ =	sfence.sel $0xFFFF  }
0xbf: {  	[dreg:$0x0] =	wrdreg $0xFFFFFFFF;
	(pc) =	sbr.abs _section_cstart, $3  }
0xc0: {  	[dreg:$0x1] =	wrdreg $0xFFFFFFFF  }
0xc1: {  	_ =	task.clear_ibuf [dreg:s7], $0x2FFFF;
	_ =	strace $0x9FFFFFFF  }
0xc2: {  	(tm) =	ssettm $0x7FFFFFFF  }
0xc3: {  	_ =	shalt  }
tec
execute0_lowered:
.L_overlay_start_1:
0x0: {  	(tag) =	ssettag $0x1  }
0x1: {  	s1 =	srdreg.scid  }
0x2: {  	s14 =	rddreg [dreg:$0x0];
	s0 =	stileid.u32;
	s15 =	sand.u32 $0x1, s1  }
0x3: {  	s3 =	rddreg [dreg:$0x1];
	s4 =	sshll.u32 s0, $0xA;
	s5 =	sshll.u32 s15, $0x9  }
0x4: {  	s2 =	simm.s32 $0x0;
	s1 =	rddreg [dreg:$0x2];
	s16 =	sor.u32 s5, s4  }
0x5: {  	[smem:$0x7FF] =	sst s2;
	s4 =	sshrl.u32 s16, $0x3  }
0x6: {  	_ =	strace $0x8000004A;
	s4 =	sadd.s32 s3, s4;
	s3 =	simm.s32 $0x2  }
0x7: {  	[tilespmem:s2], [sflag:$0x2] =	stream.linear.gather [hbm4b:s4+s2], $0x200, $0x38;
	[tilespmem:$0x4200] =	vst v63  }
0x8: {  	_ =	swait.ge [sflag:s3], $0x200  }
0x9: {  	s6 =	simm.s32 $0x80;
	[sflag:s3] =	ssyncset.done $0x0  }
0xa: {  	s7 =	simm.s32 $0x200;
	s5 =	sadd.s32 $0x1D3E00, s14;
	[sflag:s3] =	ssyncadd.s32 $0xFFFFFE00  }
0xb: {  	[tilespmem:s7], [sflag:$0x1] =	stream.indirect.gather [hbm4b:s5+s6], $0x20, s2, s6, $0xb8;
	[tilespmem:$0x4200] =	vst v63  }
0xc: {  	s8 =	simm.s32 $0x1200  }
0xd: {  	[tilespmem:s8], [sflag:$0x1] =	stream.indirect.gather [hbm4b:s5+s6], $0x20, s6, s6, $0xb8;
	[tilespmem:$0x4200] =	vst v63  }
0xe: {  	s9 =	simm.s32 $0x100;
	s10 =	simm.s32 $0x2200  }
0xf: {  	[tilespmem:s10], [sflag:$0x1] =	stream.indirect.gather [hbm4b:s5+s6], $0x20, s9, s6, $0xb8;
	[tilespmem:$0x4200] =	vst v63  }
0x10: {  	s11 =	simm.s32 $0x180;
	s12 =	simm.s32 $0x3200;
	s13 =	simm.s32 $0x1  }
0x11: {  	[tilespmem:s12], [sflag:$0x1] =	stream.indirect.gather [hbm4b:s5+s6], $0x20, s11, s6, $0xb8;
	[tilespmem:$0x4200] =	vst v63  }
0x12: {  	_ =	swait.ge [sflag:s13], $0x1000  }
0x13: {  	[sflag:s13] =	ssyncset.done $0x0  }
0x14: {  	[sflag:s13] =	ssyncadd.s32 $0xFFFFF000  }
0x15: {  	_ =	swait.ge [sflag:s13], $0x1000  }
0x16: {  	[sflag:s13] =	ssyncset.done $0x0  }
0x17: {  	s15 =	ssub.s32 $0x2, s15;
	[sflag:s13] =	ssyncadd.s32 $0xFFFFF000  }
0x18: {  	s17 =	sshrl.u32 s15, $0x1;
	_ =	swait.ge [sflag:s13], $0x1000  }
0x19: {  	s15 =	ssub.s32 s15, s17;
	[sflag:s13] =	ssyncset.done $0x0  }
0x1a: {  	s15 =	smax.u32 s15, $0x1;
	[sflag:s13] =	ssyncadd.s32 $0xFFFFF000  }
0x1b: {  	s16 =	sshll.u32 s16, $0x2;
	p0 =	sne.s32 s15, $0x1;
	_ =	swait.ge [sflag:s13], $0x1000  }
.Ltmp0:
0x1c: {  	s14 =	sadd.s32 s16, s14;
	[sflag:s13] =	ssyncset.done $0x0;
	(pc) =	sbr.rel @!p0 .LBB2_2-.Ltmp0, $4  }
0x1d: {  	s14 =	sadd.s32 $0x1400, s14;
	[sflag:s13] =	ssyncadd.s32 $0xFFFFF000  }
0x1e: {  	[hbm4b:s14+s2] =	stream.linear.scatter [tilespmem:s7], [sflag:$0x2], $0x4000, $0x38;
	[tilespmem:$0x4200] =	vst v63  }
0x1f: {  	_ =	swait.ge [sflag:s3], $0x4000  }
0x20: {  	s15 =	sadd.s32 $0xFFFFFFFF, s15;
	[sflag:s3] =	ssyncset.done $0x0  }
.LBB2_1:
0x21: {  	p0 =	sne.s32 s15, $0x1;
	s15 =	sadd.s32 $0xFFFFFFFF, s15;
	[sflag:s3] =	ssyncadd.s32 $0xFFFFC000  }
0x22: {  	[tilespmem:s2], [sflag:$0x2] =	stream.linear.gather [hbm4b:s4+s2], $0x200, $0x38;
	[tilespmem:$0x4200] =	vst v63  }
0x23: {  	_ =	swait.ge [sflag:s3], $0x200  }
0x24: {  	[sflag:s3] =	ssyncset.done $0x0  }
0x25: {  	[sflag:s3] =	ssyncadd.s32 $0xFFFFFE00  }
0x26: {  	[tilespmem:s7], [sflag:$0x1] =	stream.indirect.gather [hbm4b:s5+s6], $0x20, s2, s6, $0xb8;
	[tilespmem:$0x4200] =	vst v63  }
0x27: {  	_ = 	snop  }
0x28: {  	[tilespmem:s8], [sflag:$0x1] =	stream.indirect.gather [hbm4b:s5+s6], $0x20, s6, s6, $0xb8;
	[tilespmem:$0x4200] =	vst v63  }
0x29: {  	_ = 	snop  }
0x2a: {  	[tilespmem:s10], [sflag:$0x1] =	stream.indirect.gather [hbm4b:s5+s6], $0x20, s9, s6, $0xb8;
	[tilespmem:$0x4200] =	vst v63  }
0x2b: {  	_ = 	snop  }
0x2c: {  	[tilespmem:s12], [sflag:$0x1] =	stream.indirect.gather [hbm4b:s5+s6], $0x20, s11, s6, $0xb8;
	[tilespmem:$0x4200] =	vst v63  }
0x2d: {  	_ =	swait.ge [sflag:s13], $0x1000  }
0x2e: {  	[sflag:s13] =	ssyncset.done $0x0  }
0x2f: {  	[sflag:s13] =	ssyncadd.s32 $0xFFFFF000  }
0x30: {  	_ =	swait.ge [sflag:s13], $0x1000  }
0x31: {  	[sflag:s13] =	ssyncset.done $0x0  }
0x32: {  	[sflag:s13] =	ssyncadd.s32 $0xFFFFF000  }
0x33: {  	_ =	swait.ge [sflag:s13], $0x1000  }
0x34: {  	[sflag:s13] =	ssyncset.done $0x0  }
0x35: {  	[sflag:s13] =	ssyncadd.s32 $0xFFFFF000  }
0x36: {  	_ =	swait.ge [sflag:s13], $0x1000  }
.Ltmp1:
0x37: {  	[sflag:s13] =	ssyncset.done $0x0;
	(pc) =	sbr.rel @p0 .LBB2_1-.Ltmp1, $4  }
0x38: {  	[sflag:s13] =	ssyncadd.s32 $0xFFFFF000  }
0x39: {  	[hbm4b:s14+s2] =	stream.linear.scatter [tilespmem:s7], [sflag:$0x2], $0x4000, $0x38;
	[tilespmem:$0x4200] =	vst v63  }
0x3a: {  	_ =	swait.ge [sflag:s3], $0x4000  }
0x3b: {  	[sflag:s3] =	ssyncset.done $0x0  }
.LBB2_2:
0x3c: {  	[sflag:s3] =	ssyncadd.s32 $0xFFFFC000  }
0x3d: {  	_ =	sfence.sel $0x180000  }
0x3e: {  	[bflag:$0x0] =	sbarrier.arrive $0xFFFF  }
0x3f: {  	p0 =	sne.s32 s0, $0x0;
	_ =	strace $0x9000004A  }
0x40: {  	s0 =	sadd.s32 @!p0 $0x100000, s1;
	[bflag:$0x2] =	sbarrier.arrive $0xFFFF  }
0x41: {  	[sflag:s0] =	ssyncadd.tile.s32 @!p0 $0x1;
	_ =	shalt  }
.Lfunc_end2:
_tile_overlayer_lowered:
.L_overlay_start_2:
0x42: {  	(tag) =	ssettag $0x2  }
0x43: {  	s0 =	rddreg [dreg:$0x0];
	s2 =	stileid.u32  }
0x44: {  	s1 =	rddreg [dreg:$0x1];
	p0 =	sne.s32 s2, $0x0  }
0x45: {  	s3 =	rddreg [dreg:$0x2];
	[bflag:$0x3] =	sbarrier.arrive $0xFFFF;
	s2 =	simm.s32 @!p0 $0x1C02  }
0x46: {  	[timem:s3], [sflag:s2] =	dma.local @!p0 [hbm:s0], s1  }
0x47: {  	s0 =	simm.s32 @!p0 $0x2  }
0x48: {  	_ =	swait.ge @!p0 [sflag:s0], s1  }
0x49: {  	s1 =	ssub.s32 @!p0 $0x0, s1;
	[sflag:s0] =	ssyncset.done @!p0 $0x0  }
0x4a: {  	[sflag:s0] =	ssyncadd.s32 @!p0 s1  }
0x4b: {  	[bflag:$0x3] =	sbarrier.arrive $0xFFFF  }
0x4c: {  	_ =	shalt  }

// kernel: kernel.8.cloned.1.call-start
scs
__scs_entry_jumppad:
0x0: {  	(pc) =	sbr.rel $0x88, $3  }
0x1: {  	(tag) =	ssettag $0x0;
	lr =	simm.s32 $0x1  }
0x2: {  	[smem:$0x3F9F] =	sst lr;
	_ =	strace $0xD0000000  }
0x3: {  	_ = 	snop  }
0x4: {  	_ = 	snop  }
0x5: {  	_ = 	snop  }
0x6: {  	_ = 	snop  }
0x7: {  	_ = 	snop  }
__scs_overlays_trampoline_lowered:
0x8: {  	[smem:$0x3FAE] =	sst s0  }
0x9: {  	[smem:$0x3FAF] =	sst s1  }
0xa: {  	[smem:$0x3FB0] =	sst s2  }
0xb: {  	[smem:$0x3FB1] =	sst s3  }
0xc: {  	[smem:$0x3FB2] =	sst s4  }
0xd: {  	[smem:$0x3FB3] =	sst s5  }
0xe: {  	[smem:$0x3FB4] =	sst s6  }
0xf: {  	[smem:$0x3FB5] =	sst s7  }
0x10: {  	[smem:$0x3FB6] =	sst s8  }
0x11: {  	[smem:$0x3FB7] =	sst s9;
	s0 =	simm.s32 @!p0 $0x0  }
0x12: {  	s1 =	sld [smem:$0x3F9D];
	s0 =	simm.s32 @p0 $0x1  }
0x13: {  	[smem:$0x3FB8] =	sst s0;
	s0 =	simm.s32 @!p1 $0x0  }
0x14: {  	s2 =	sld [smem:$0x3F9C];
	s0 =	simm.s32 @p1 $0x1  }
0x15: {  	[smem:$0x3FB9] =	sst s0;
	s0 =	simm.s32 @!p2 $0x0  }
0x16: {  	s3 =	sld [smem:$0x3FDB];
	s0 =	simm.s32 @p2 $0x1  }
0x17: {  	s4 =	simm.s32 $0x1BF5;
	[smem:$0x3FBB] =	sst s0  }
0x18: {  	s0 =	sld [smem:$0x3F9E];
	_ =	swait.ge [sflag:s4], $0x0  }
0x19: {  	s7 =	sld [smem:$0x3F9F]  }
0x1a: {  	s8 =	sadd.s32 $0xFFFFE003, lr  }
0x1b: {  	s9 =	sadd.s32 $0xFFFFFEF7, lr;
	s5 =	simm.s32 $0xFFFFFFFF;
	p2 =	slt.u32 s8, $0xFFFFF086  }
0x1c: {  	p1 =	slt.u32 s9, $0xF7A;
	s5 =	simm.s32 @!p2 $0x0  }
0x1d: {  	s5 =	simm.s32 @p1 $0x1;
	p0 =	seq.s32 s7, s2  }
0x1e: {  	s7 =	smul.u32 @!p0 $0xF7A, s2;
	p2 =	seq.s32 @!p0 s5, $0x0  }
0x1f: {  	s9 =	smul.u32 $0xF7A, s1;
	s8 =	simm.s32 @!p0 $0x1BF5;
	p2 =	por !p2, p0  }
0x20: {  	[sflag:s8] =	ssyncset.s32 @!p0 $0xFFFFF086;
	s6 =	sadd.s32 @!p0 s3, s7;
	s7 =	simm.s32 @!p0 $0x108  }
0x21: {  	s3 =	sadd.s32 s3, s9;
	s6 =	sadd.s32 @!p0 $0x88, s6;
	s7 =	simm.s32 @p2 $0x1082  }
0x22: {  	[simem:s7], [sflag:s8] =	dma.local @!p0 [hbm:s6], $0xF7A  }
0x23: {  	s9 =	sor.u32 $0xD0000000, s2;
	s6 =	simm.s32 $0x108;
	_ =	swait.ge @!p0 [sflag:s8], $0x0  }
0x24: {  	s3 =	sadd.s32 $0x88, s3;
	s6 =	simm.s32 @!p1 $0x1082;
	[sflag:s4] =	ssyncset.s32 $0xFFFFF086  }
0x25: {  	[simem:s6], [sflag:s4] =	dma.local [hbm:s3], $0xF7A  }
0x26: {  	[smem:$0x3F9F] =	sst s1;
	(tag) =	ssettag s2;
	_ =	strace s9  }
0x27: {  	s1 =	sld [smem:$0x3FAF]  }
0x28: {  	s2 =	sld [smem:$0x3FB0]  }
0x29: {  	s4 =	sld [smem:$0x3FB2]  }
0x2a: {  	p0 =	seq.s32 s5, $0x0;
	s5 =	sld [smem:$0x3FB3]  }
0x2b: {  	s6 =	sld [smem:$0x3FB4]  }
0x2c: {  	s7 =	sld [smem:$0x3FB5]  }
0x2d: {  	s3 =	simm.s32 $0x108;
	s8 =	sld [smem:$0x3FB6]  }
0x2e: {  	s3 =	simm.s32 @!p0 $0x1082;
	s9 =	sld [smem:$0x3FB7]  }
0x2f: {  	lr =	sadd.s32 s0, s3;
	s0 =	sld [smem:$0x3FAE]  }
0x30: {  	s3 =	sld [smem:$0x3FB1]  }
0x31: {  	[smem:$0x3FBA] =	sst s10  }
0x32: {  	s10 =	sld [smem:$0x3FB8];
	_ =	sdelay $0x3  }
0x33: {  	p0 =	seq.s32 s10, $0x1;
	s10 =	sld [smem:$0x3FBA];
	_ =	sdelay $0x3  }
0x34: {  	[smem:$0x3FBA] =	sst s10  }
0x35: {  	s10 =	sld [smem:$0x3FB9];
	_ =	sdelay $0x3  }
0x36: {  	p1 =	seq.s32 s10, $0x1;
	s10 =	sld [smem:$0x3FBA];
	_ =	sdelay $0x3  }
0x37: {  	[smem:$0x3FBA] =	sst s10  }
0x38: {  	s10 =	sld [smem:$0x3FBB]  }
0x39: {  	_ = 	snop;
	(pc) =	sbr.ind lr, $3  }
0x3a: {  	_ = 	snop  }
0x3b: {  	_ = 	snop  }
0x3c: {  	p2 =	seq.s32 s10, $0x1;
	s10 =	sld [smem:$0x3FBA]  }
0x3d: {  	_ =	shalt  }
0x3e: {  	_ =	shalt  }
0x3f: {  	_ =	shalt  }
0x40: {  	_ =	shalt  }
0x41: {  	_ =	shalt  }
0x42: {  	_ =	shalt  }
0x43: {  	_ =	shalt  }
0x44: {  	_ =	shalt  }
0x45: {  	_ =	shalt  }
0x46: {  	_ =	shalt  }
0x47: {  	_ =	shalt  }
0x48: {  	_ =	shalt  }
0x49: {  	_ =	shalt  }
0x4a: {  	_ =	shalt  }
0x4b: {  	_ =	shalt  }
0x4c: {  	_ =	shalt  }
0x4d: {  	_ =	shalt  }
0x4e: {  	_ =	shalt  }
0x4f: {  	_ =	shalt  }
0x50: {  	_ =	shalt  }
0x51: {  	_ =	shalt  }
0x52: {  	_ =	shalt  }
0x53: {  	_ =	shalt  }
0x54: {  	_ =	shalt  }
0x55: {  	_ =	shalt  }
0x56: {  	_ =	shalt  }
0x57: {  	_ =	shalt  }
0x58: {  	_ =	shalt  }
0x59: {  	_ =	shalt  }
0x5a: {  	_ =	shalt  }
0x5b: {  	_ =	shalt  }
0x5c: {  	_ =	shalt  }
0x5d: {  	_ =	shalt  }
0x5e: {  	_ =	shalt  }
0x5f: {  	_ =	shalt  }
0x60: {  	_ =	shalt  }
0x61: {  	_ =	shalt  }
0x62: {  	_ =	shalt  }
0x63: {  	_ =	shalt  }
0x64: {  	_ =	shalt  }
0x65: {  	_ =	shalt  }
0x66: {  	_ =	shalt  }
0x67: {  	_ =	shalt  }
0x68: {  	_ =	shalt  }
0x69: {  	_ =	shalt  }
0x6a: {  	_ =	shalt  }
0x6b: {  	_ =	shalt  }
0x6c: {  	_ =	shalt  }
0x6d: {  	_ =	shalt  }
0x6e: {  	_ =	shalt  }
0x6f: {  	_ =	shalt  }
0x70: {  	_ =	shalt  }
0x71: {  	_ =	shalt  }
0x72: {  	_ =	shalt  }
0x73: {  	_ =	shalt  }
0x74: {  	_ =	shalt  }
0x75: {  	_ =	shalt  }
0x76: {  	_ =	shalt  }
0x77: {  	_ =	shalt  }
0x78: {  	_ =	shalt  }
0x79: {  	_ =	shalt  }
0x7a: {  	_ =	shalt  }
0x7b: {  	_ =	shalt  }
0x7c: {  	_ =	shalt  }
0x7d: {  	_ =	shalt  }
0x7e: {  	_ =	shalt  }
0x7f: {  	_ =	shalt  }
0x80: {  	_ =	shalt  }
0x81: {  	_ =	shalt  }
0x82: {  	_ =	shalt  }
0x83: {  	_ =	shalt  }
0x84: {  	_ =	shalt  }
0x85: {  	_ =	shalt  }
0x86: {  	_ =	shalt  }
0x87: {  	_ =	shalt  }
.Lfunc_end0:
.L_simem_size_0:
called_computation_lowered:
.L_overlay_start_0:
0x88: {  	s2 =	sld [smem:$0x3FD9]  }
0x89: {  	s3 =	sld [smem:$0x3FFE];
	_ =	sdelay $0x1  }
0x8a: {  	s1 =	srdreg.scid  }
0x8b: {  	s0 =	sand.u32 $0x1, s1  }
0x8c: {  	s17 =	sshll.u32 s0, $0xA;
	s2 =	sadd.s32 s3, s2  }
0x8d: {  	s2 =	sadd.s32 s2, s17  }
0x8e: {  	[smem:$0x3FC6] =	sst s2  }
0x8f: {  	_ = 	snop  }
0x90: {  	s2 =	sld [smem:$0x3FD0];
	(tm) =	ssettm $0x1  }
0x91: {  	s18 =	sld [smem:$0x3FFB];
	_ =	sdelay $0x3  }
0x92: {  	_ =	strace s18  }
0x93: {  	s3 =	sld [smem:$0x3FFC];
	_ =	sdelay $0x3  }
0x94: {  	_ =	strace s3  }
0x95: {  	s3 =	sld [smem:$0x3FFD];
	_ =	sdelay $0x3  }
0x96: {  	_ =	strace s3  }
0x97: {  	_ =	strace $0x8FFFFFFF  }
0x98: {  	s19 =	sld [smem:$0x3FDB];
	_ =	sdelay $0x1  }
0x99: {  	s4 =	simm.s32 $_scs_section_size  }
0x9a: {  	s5 =	simm.s32 $_size__tile_overlayer_lowered;
	s6 =	simm.s32 $_tile_overlayer_lowered  }
0x9b: {  	s22 =	simm.s32 $0x1BFF;
	s21 =	sshll.u32 s6, $0x1;
	s3 =	sadd.s32 s4, s19  }
0x9c: {  	s7 =	simm.s32 $0x0;
	s20 =	sshll.u32 s5, $0x1;
	s5 =	sadd.s32 s21, s3  }
0x9d: {  	[timem:s7], [sflag:s22] =	dma.local [hbm:s5], s20  }
0x9e: {  	_ =	swait.ge [sflag:s22], s20  }
0x9f: {  	s4 =	ssub.s32 $0x0, s20;
	[sflag:s22] =	ssyncset.done $0x0  }
0xa0: {  	[sflag:s22] =	ssyncadd.s32 s4;
	_ =	sdelay $0x1  }
0xa1: {  	s23 =	simm.s32 $0x1B8B  }
0xa2: {  	_ =	swait.ge [sflag:s23], $0x1  }
0xa3: {  	[sflag:s23] =	ssyncset.done $0x0  }
0xa4: {  	s25 =	simm.s32 $0x1B8E;
	s24 =	sld [smem:$0x3FFE];
	[sflag:s23] =	ssyncadd.s32 $0xFFFFFFFF  }
0xa5: {  	s26 =	simm.s32 $execute0_lowered;
	[smem:$0x3FD2] =	sst s25  }
0xa6: {  	s5 =	sshll.u32 s26, $0x1;
	_ =	strace $0x80000046;
	[dreg:$0x1] =	wrdreg $0xFFFFFFFF  }
0xa7: {  	s28 =	simm.s32 $_size_execute0_lowered;
	s3 =	sadd.s32 s3, s5;
	[dreg:$0x0] =	wrdreg $0x0  }
0xa8: {  	s5 =	sshll.u32 s28, $0x1;
	[dreg:$0x2] =	wrdreg s3  }
0xa9: {  	[dreg:$0x3] =	wrdreg s5  }
0xaa: {  	[dreg:$0x4] =	wrdreg $0xC0  }
0xab: {  	_ =	task [dreg:s7], $0x5FFFF  }
0xac: {  	[dreg:$0x1] =	wrdreg $0xFFFFFFFF  }
0xad: {  	[dreg:$0x0] =	wrdreg $0x60  }
0xae: {  	[dreg:$0x2] =	wrdreg s24  }
0xaf: {  	[dreg:$0x3] =	wrdreg s2  }
0xb0: {  	[dreg:$0x4] =	wrdreg $0x9  }
0xb1: {  	_ =	task.clear_ibuf [dreg:s7], $0x5FFFF;
	_ =	strace $0x90000046  }
0xb2: {  	s29 =	simm.s32 $0x9;
	_ =	strace $0x80000048  }
0xb3: {  	_ =	swait.ge [sflag:s29], $0x1  }
0xb4: {  	[sflag:s29] =	ssyncadd.s32 $0xFFFFFFFF  }
0xb5: {  	_ =	strace $0x90000048  }
0xb6: {  	_ =	sfence  }
0xb7: {  	s30 =	sld [smem:$0x0];
	_ =	sdelay $0x2  }
0xb8: {  	s31 =	sshll.u32 s1, $0xD;
	s1 =	sshrl.u32 s1, $0x2  }
0xb9: {  	s3 =	sand.u32 $0x4000, s31;
	s1 =	sadd.s32 s1, s30  }
0xba: {  	s0 =	sor.u32 s3, s0;
	s1 =	sshll.u32 s1, $0x11  }
0xbb: {  	s0 =	sor.u32 s1, s0  }
0xbc: {  	s0 =	sadd.s32 $0x8F2B, s0  }
0xbd: {  	[sflag:s0] =	ssyncadd.remote.s32 $0x1  }
0xbe: {  	_ =	sfence.sel $0xFFFF  }
0xbf: {  	[dreg:$0x0] =	wrdreg $0xFFFFFFFF;
	(pc) =	sbr.abs _section_cstart, $3  }
0xc0: {  	[dreg:$0x1] =	wrdreg $0xFFFFFFFF  }
0xc1: {  	_ =	task.clear_ibuf [dreg:s7], $0x2FFFF;
	_ =	strace $0x9FFFFFFF  }
0xc2: {  	(tm) =	ssettm $0x7FFFFFFF  }
0xc3: {  	_ =	shalt  }
tec
execute0_lowered:
.L_overlay_start_1:
0x0: {  	(tag) =	ssettag $0x1  }
0x1: {  	s1 =	srdreg.scid;
	s0 =	stileid.u32  }
0x2: {  	s18 =	rddreg [dreg:$0x0];
	s19 =	sand.u32 $0x1, s1;
	s31 =	sshll.u32 s0, $0x1  }
0x3: {  	s3 =	rddreg [dreg:$0x1];
	s20 =	sor.u32 s19, s31  }
0x4: {  	s2 =	simm.s32 $0x0;
	s1 =	rddreg [dreg:$0x2];
	s4 =	smul.u32 $0x48, s20  }
0x5: {  	[smem:$0x7FF] =	sst s2  }
0x6: {  	_ =	strace $0x80000047;
	s4 =	sadd.s32 s3, s4;
	s3 =	simm.s32 $0x2  }
0x7: {  	[tilespmem:s2], [sflag:$0x2] =	stream.linear.gather [hbm4b:s4+s2], $0x240, $0x38;
	[tilespmem:$0x12240] =	vst v63  }
0x8: {  	_ =	swait.ge [sflag:s3], $0x240  }
0x9: {  	s6 =	simm.s32 $0x60;
	[sflag:s3] =	ssyncset.done $0x0  }
0xa: {  	s7 =	simm.s32 $0x240;
	s5 =	sadd.s32 $0x30FE00, s18;
	[sflag:s3] =	ssyncadd.s32 $0xFFFFFDC0  }
0xb: {  	[tilespmem:s7], [sflag:$0x1] =	stream.indirect.gather [hbm4b:s5+s6], $0x80, s2, s6, $0xb8;
	[tilespmem:$0x12240] =	vst v63  }
0xc: {  	s8 =	simm.s32 $0x3240  }
0xd: {  	[tilespmem:s8], [sflag:$0x1] =	stream.indirect.gather [hbm4b:s5+s6], $0x80, s6, s6, $0xb8;
	[tilespmem:$0x12240] =	vst v63  }
0xe: {  	s9 =	simm.s32 $0xC0;
	s10 =	simm.s32 $0x6240  }
0xf: {  	[tilespmem:s10], [sflag:$0x1] =	stream.indirect.gather [hbm4b:s5+s6], $0x80, s9, s6, $0xb8;
	[tilespmem:$0x12240] =	vst v63  }
0x10: {  	s11 =	simm.s32 $0x120;
	s12 =	simm.s32 $0x9240  }
0x11: {  	[tilespmem:s12], [sflag:$0x1] =	stream.indirect.gather [hbm4b:s5+s6], $0x80, s11, s6, $0xb8;
	[tilespmem:$0x12240] =	vst v63  }
0x12: {  	s13 =	simm.s32 $0x180;
	s14 =	simm.s32 $0xC240  }
0x13: {  	[tilespmem:s14], [sflag:$0x1] =	stream.indirect.gather [hbm4b:s5+s6], $0x80, s13, s6, $0xb8;
	[tilespmem:$0x12240] =	vst v63  }
0x14: {  	s15 =	simm.s32 $0x1E0;
	s16 =	simm.s32 $0xF240;
	s17 =	simm.s32 $0x1  }
0x15: {  	[tilespmem:s16], [sflag:$0x1] =	stream.indirect.gather [hbm4b:s5+s6], $0x80, s15, s6, $0xb8;
	[tilespmem:$0x12240] =	vst v63  }
0x16: {  	_ =	swait.ge [sflag:s17], $0x3000  }
0x17: {  	[sflag:s17] =	ssyncset.done $0x0  }
0x18: {  	[sflag:s17] =	ssyncadd.s32 $0xFFFFD000  }
0x19: {  	_ =	swait.ge [sflag:s17], $0x3000  }
0x1a: {  	[sflag:s17] =	ssyncset.done $0x0  }
0x1b: {  	[sflag:s17] =	ssyncadd.s32 $0xFFFFD000  }
0x1c: {  	_ =	swait.ge [sflag:s17], $0x3000  }
0x1d: {  	[sflag:s17] =	ssyncset.done $0x0  }
0x1e: {  	[sflag:s17] =	ssyncadd.s32 $0xFFFFD000  }
0x1f: {  	_ =	swait.ge [sflag:s17], $0x3000  }
0x20: {  	[sflag:s17] =	ssyncset.done $0x0  }
0x21: {  	s19 =	ssub.s32 $0x2, s19;
	[sflag:s17] =	ssyncadd.s32 $0xFFFFD000  }
0x22: {  	s21 =	sshrl.u32 s19, $0x1;
	_ =	swait.ge [sflag:s17], $0x3000  }
0x23: {  	s19 =	ssub.s32 s19, s21;
	[sflag:s17] =	ssyncset.done $0x0  }
0x24: {  	s20 =	smul.u32 $0x2400, s20;
	s19 =	smax.u32 s19, $0x1;
	[sflag:s17] =	ssyncadd.s32 $0xFFFFD000  }
0x25: {  	p0 =	sne.s32 s19, $0x1;
	_ =	swait.ge [sflag:s17], $0x3000  }
.Ltmp0:
0x26: {  	s18 =	sadd.s32 s20, s18;
	[sflag:s17] =	ssyncset.done $0x0;
	(pc) =	sbr.rel @!p0 .LBB2_2-.Ltmp0, $4  }
0x27: {  	s18 =	sadd.s32 $0x18BE00, s18;
	[sflag:s17] =	ssyncadd.s32 $0xFFFFD000  }
0x28: {  	[hbm4b:s18+s2] =	stream.linear.scatter [tilespmem:s7], [sflag:$0x2], $0x12000, $0x38;
	[tilespmem:$0x12240] =	vst v63  }
0x29: {  	_ =	swait.ge [sflag:s3], $0x12000  }
0x2a: {  	s19 =	sadd.s32 $0xFFFFFFFF, s19;
	[sflag:s3] =	ssyncset.done $0x0  }
.LBB2_1:
0x2b: {  	p0 =	sne.s32 s19, $0x1;
	s19 =	sadd.s32 $0xFFFFFFFF, s19;
	[sflag:s3] =	ssyncadd.s32 $0xFFFEE000  }
0x2c: {  	[tilespmem:s2], [sflag:$0x2] =	stream.linear.gather [hbm4b:s4+s2], $0x240, $0x38;
	[tilespmem:$0x12240] =	vst v63  }
0x2d: {  	_ =	swait.ge [sflag:s3], $0x240  }
0x2e: {  	[sflag:s3] =	ssyncset.done $0x0  }
0x2f: {  	[sflag:s3] =	ssyncadd.s32 $0xFFFFFDC0  }
0x30: {  	[tilespmem:s7], [sflag:$0x1] =	stream.indirect.gather [hbm4b:s5+s6], $0x80, s2, s6, $0xb8;
	[tilespmem:$0x12240] =	vst v63  }
0x31: {  	_ = 	snop  }
0x32: {  	[tilespmem:s8], [sflag:$0x1] =	stream.indirect.gather [hbm4b:s5+s6], $0x80, s6, s6, $0xb8;
	[tilespmem:$0x12240] =	vst v63  }
0x33: {  	_ = 	snop  }
0x34: {  	[tilespmem:s10], [sflag:$0x1] =	stream.indirect.gather [hbm4b:s5+s6], $0x80, s9, s6, $0xb8;
	[tilespmem:$0x12240] =	vst v63  }
0x35: {  	_ = 	snop  }
0x36: {  	[tilespmem:s12], [sflag:$0x1] =	stream.indirect.gather [hbm4b:s5+s6], $0x80, s11, s6, $0xb8;
	[tilespmem:$0x12240] =	vst v63  }
0x37: {  	_ = 	snop  }
0x38: {  	[tilespmem:s14], [sflag:$0x1] =	stream.indirect.gather [hbm4b:s5+s6], $0x80, s13, s6, $0xb8;
	[tilespmem:$0x12240] =	vst v63  }
0x39: {  	_ = 	snop  }
0x3a: {  	[tilespmem:s16], [sflag:$0x1] =	stream.indirect.gather [hbm4b:s5+s6], $0x80, s15, s6, $0xb8;
	[tilespmem:$0x12240] =	vst v63  }
0x3b: {  	_ =	swait.ge [sflag:s17], $0x3000  }
0x3c: {  	[sflag:s17] =	ssyncset.done $0x0  }
0x3d: {  	[sflag:s17] =	ssyncadd.s32 $0xFFFFD000  }
0x3e: {  	_ =	swait.ge [sflag:s17], $0x3000  }
0x3f: {  	[sflag:s17] =	ssyncset.done $0x0  }
0x40: {  	[sflag:s17] =	ssyncadd.s32 $0xFFFFD000  }
0x41: {  	_ =	swait.ge [sflag:s17], $0x3000  }
0x42: {  	[sflag:s17] =	ssyncset.done $0x0  }
0x43: {  	[sflag:s17] =	ssyncadd.s32 $0xFFFFD000  }
0x44: {  	_ =	swait.ge [sflag:s17], $0x3000  }
0x45: {  	[sflag:s17] =	ssyncset.done $0x0  }
0x46: {  	[sflag:s17] =	ssyncadd.s32 $0xFFFFD000  }
0x47: {  	_ =	swait.ge [sflag:s17], $0x3000  }
0x48: {  	[sflag:s17] =	ssyncset.done $0x0  }
0x49: {  	[sflag:s17] =	ssyncadd.s32 $0xFFFFD000  }
0x4a: {  	_ =	swait.ge [sflag:s17], $0x3000  }
.Ltmp1:
0x4b: {  	[sflag:s17] =	ssyncset.done $0x0;
	(pc) =	sbr.rel @p0 .LBB2_1-.Ltmp1, $4  }
0x4c: {  	[sflag:s17] =	ssyncadd.s32 $0xFFFFD000  }
0x4d: {  	[hbm4b:s18+s2] =	stream.linear.scatter [tilespmem:s7], [sflag:$0x2], $0x12000, $0x38;
	[tilespmem:$0x12240] =	vst v63  }
0x4e: {  	_ =	swait.ge [sflag:s3], $0x12000  }
0x4f: {  	[sflag:s3] =	ssyncset.done $0x0  }
.LBB2_2:
0x50: {  	[sflag:s3] =	ssyncadd.s32 $0xFFFEE000  }
0x51: {  	_ =	sfence.sel $0x180000  }
0x52: {  	[bflag:$0x0] =	sbarrier.arrive $0xFFFF  }
0x53: {  	p0 =	sne.s32 s0, $0x0;
	_ =	strace $0x90000047  }
0x54: {  	s0 =	sadd.s32 @!p0 $0x100000, s1;
	[bflag:$0x2] =	sbarrier.arrive $0xFFFF  }
0x55: {  	[sflag:s0] =	ssyncadd.tile.s32 @!p0 $0x1;
	_ =	shalt  }
.Lfunc_end2:
_tile_overlayer_lowered:
.L_overlay_start_2:
0x56: {  	(tag) =	ssettag $0x2  }
0x57: {  	s0 =	rddreg [dreg:$0x0];
	s2 =	stileid.u32  }
0x58: {  	s1 =	rddreg [dreg:$0x1];
	p0 =	sne.s32 s2, $0x0  }
0x59: {  	s3 =	rddreg [dreg:$0x2];
	[bflag:$0x3] =	sbarrier.arrive $0xFFFF;
	s2 =	simm.s32 @!p0 $0x1C02  }
0x5a: {  	[timem:s3], [sflag:s2] =	dma.local @!p0 [hbm:s0], s1  }
0x5b: {  	s0 =	simm.s32 @!p0 $0x2  }
0x5c: {  	_ =	swait.ge @!p0 [sflag:s0], s1  }
0x5d: {  	s1 =	ssub.s32 @!p0 $0x0, s1;
	[sflag:s0] =	ssyncset.done @!p0 $0x0  }
0x5e: {  	[sflag:s0] =	ssyncadd.s32 @!p0 s1  }
0x5f: {  	[bflag:$0x3] =	sbarrier.arrive $0xFFFF  }
0x60: {  	_ =	shalt  }

</sc_bundles>
